<compile_context>
chip_gen: v7x
topology: tpu7x:2x2x1
jax: 0.10.2.dev20260603
libtpu: 0.0.44.dev20260713+nightly
codegen_flags: <defaults>
</compile_context>

<pallas_src>
import functools
import jax
import jax.numpy as jnp
from jax import lax
from jax.experimental import pallas as pl
from jax.experimental.pallas import tpu as pltpu
from jax.experimental.pallas import tpu_sc as plsc

_info = plsc.get_sparse_core_info()
_NC, _NS = _info.num_cores, _info.num_subcores
_NW = _NC * _NS
_NBUF = 8


@functools.partial(jax.jit, static_argnames=("n_batch",))
def _sc_gather(idx3d, table, n_batch):
    S = idx3d.shape[2]
    D = table.shape[1]
    slabs_per_w = n_batch // _NW
    n_groups = slabs_per_w // _NBUF
    mesh = plsc.VectorSubcoreMesh(core_axis_name="c", subcore_axis_name="s")

    @functools.partial(
        pl.kernel,
        mesh=mesh,
        out_type=jax.ShapeDtypeStruct((n_batch, S, D), jnp.float32),
        scratch_types=[
            pltpu.VMEM((slabs_per_w, S), jnp.int32),
            pltpu.VMEM((_NBUF, S, D), jnp.float32),
        ]
        + [pltpu.SemaphoreType.DMA] * (2 * _NBUF),
    )
    def k(idx_hbm, table_hbm, out_hbm, idx_v, rows_v, *sems):
        gsems, ssems = sems[:_NBUF], sems[_NBUF:]
        wid = lax.axis_index("s") * _NC + lax.axis_index("c")
        base_b = wid * slabs_per_w
        pltpu.sync_copy(idx_hbm.at[wid], idx_v)

        def gather(j, b):
            pltpu.async_copy(table_hbm.at[idx_v.at[j]], rows_v.at[b], gsems[b])

        for b in range(_NBUF):
            gather(b, b)

        def group(p, carry):
            j0 = p * _NBUF
            for b in range(_NBUF):
                pltpu.make_async_copy(
                    table_hbm.at[idx_v.at[b]], rows_v.at[b], gsems[b]
                ).wait()
                pltpu.async_copy(rows_v.at[b], out_hbm.at[base_b + j0 + b], ssems[b])
            for b in range(_NBUF):
                pltpu.make_async_copy(
                    rows_v.at[b], out_hbm.at[base_b + j0 + b], ssems[b]
                ).wait()

                @pl.when(p + 1 < n_groups)
                def _():
                    gather(j0 + b + _NBUF, b)

            return carry

        lax.fori_loop(0, n_groups, group, 0)

    return k(idx3d, table)


def kernel(token_ids, weight):
    n_batch, S = token_ids.shape
    ids = token_ids.astype(jnp.int32)
    granule = _NW * _NBUF
    pad = (-n_batch) % granule
    if pad:
        ids = jnp.concatenate([ids, jnp.zeros((pad, S), jnp.int32)])
    n_pad = n_batch + pad
    idx3d = ids.reshape(_NW, n_pad // _NW, S)
    out = _sc_gather(idx3d, weight, n_pad)
    if pad:
        out = out[:n_batch]
    return out

# --- scband reference (transcript-rebuilt; emitter-appended) ---
"""Pipeline reference for scband-embedding-52450140619395 (READ-ONLY COPY).

The authoritative reference and input builder live on the scoring server;
editing this copy changes nothing except your own understanding.
"""

import jax, jax.numpy as jnp
import numpy as np

NUM_EMBEDDINGS = 100000
EMBEDDING_DIM = 128

def setup_inputs(seed: int = 0) -> dict:
    key = jax.random.key(seed)
    k_idx, k_w = jax.random.split(key)
    token_ids = jax.random.randint(k_idx, (4096, 50), 0, NUM_EMBEDDINGS, dtype=jnp.int64 if jax.config.jax_enable_x64 else jnp.int32)
    # trunc_normal_(mean=0, std=1, a=-3, b=3)
    weight = jax.random.truncated_normal(k_w, -3.0, 3.0, (NUM_EMBEDDINGS, EMBEDDING_DIM), dtype=jnp.float32)
    return {"token_ids": token_ids, "weight": weight}

def reference(token_ids, weight):
    # Faithful translation of: return self.weight[token_ids]
    return jnp.take(weight, token_ids, axis=0)

if __name__ == "__main__":
    import jax
    _d = setup_inputs()
    print(jax.jit(kernel)(*tuple(_d.values())))

</pallas_src>

<mosaic_0001>
#map = affine_map<(d0, d1) -> (0, 0, 0)>
#map1 = affine_map<(d0, d1) -> (0, 0)>
module attributes {stable_mosaic.version = 14 : i64} {
  func.func @k(%arg0: i32, %arg1: i32, %arg2: memref<32x128x50xi32, #tpu.memory_space<hbm>>, %arg3: memref<100000x128xf32, #tpu.memory_space<hbm>>, %arg4: memref<4096x50x128xf32, #tpu.memory_space<hbm>>, %arg5: memref<128x50xi32, #tpu.memory_space<vmem>>, %arg6: memref<8x50x128xf32, #tpu.memory_space<vmem>>, %arg7: memref<!tpu.dma_semaphore, #tpu.memory_space<semaphore_mem>>, %arg8: memref<!tpu.dma_semaphore, #tpu.memory_space<semaphore_mem>>, %arg9: memref<!tpu.dma_semaphore, #tpu.memory_space<semaphore_mem>>, %arg10: memref<!tpu.dma_semaphore, #tpu.memory_space<semaphore_mem>>, %arg11: memref<!tpu.dma_semaphore, #tpu.memory_space<semaphore_mem>>, %arg12: memref<!tpu.dma_semaphore, #tpu.memory_space<semaphore_mem>>, %arg13: memref<!tpu.dma_semaphore, #tpu.memory_space<semaphore_mem>>, %arg14: memref<!tpu.dma_semaphore, #tpu.memory_space<semaphore_mem>>, %arg15: memref<!tpu.dma_semaphore, #tpu.memory_space<semaphore_mem>>, %arg16: memref<!tpu.dma_semaphore, #tpu.memory_space<semaphore_mem>>, %arg17: memref<!tpu.dma_semaphore, #tpu.memory_space<semaphore_mem>>, %arg18: memref<!tpu.dma_semaphore, #tpu.memory_space<semaphore_mem>>, %arg19: memref<!tpu.dma_semaphore, #tpu.memory_space<semaphore_mem>>, %arg20: memref<!tpu.dma_semaphore, #tpu.memory_space<semaphore_mem>>, %arg21: memref<!tpu.dma_semaphore, #tpu.memory_space<semaphore_mem>>, %arg22: memref<!tpu.dma_semaphore, #tpu.memory_space<semaphore_mem>>) attributes {dimension_semantics = [#tpu.dimension_semantics<core_parallel>, #tpu.dimension_semantics<subcore_parallel>], iteration_bounds = array<i64: 2, 16>, scalar_prefetch = 0 : i64, scratch_operands = 18 : i64, tpu.core_type = #tpu.core_type<sc_vector_subcore>, window_params = [{transform_indices = #map}, {transform_indices = #map1}, {transform_indices = #map}]} {
    %mul3A = arith.constant 2 : i32
    %mul3A_0 = arith.muli %arg1, %mul3A : i32
    %add3A = arith.addi %mul3A_0, %arg0 : i32
    %mul3A_1 = arith.constant 128 : i32
    %mul3A_2 = arith.muli %add3A, %mul3A_1 : i32
    "tpu.region"() ({
      %run_scoped3A = tpu.sem_alloc : memref<!tpu.dma_semaphore, #tpu.memory_space<semaphore_mem>>
      %dma_start3A_103 = arith.constant 0 : i32
      %dma_start3A_104 = arith.constant 0 : i32
      %dma_start3A_105 = tpu.memref_slice %arg2[%add3A, %dma_start3A_103, %dma_start3A_104] : memref<32x128x50xi32, #tpu.memory_space<hbm>> -> memref<1x128x50xi32, #tpu.memory_space<hbm>>
      %dma_start3A_106 = tpu.memref_squeeze %dma_start3A_105 : memref<1x128x50xi32, #tpu.memory_space<hbm>> -> memref<128x50xi32, #tpu.memory_space<hbm>>
      %dma_start3A_107 = arith.constant 0 : i32
      %dma_start3A_108 = arith.constant 0 : i32
      %dma_start3A_109 = tpu.memref_slice %arg2[%add3A, %dma_start3A_107, %dma_start3A_108] : memref<32x128x50xi32, #tpu.memory_space<hbm>> -> memref<1x128x50xi32, #tpu.memory_space<hbm>>
      %dma_start3A_110 = tpu.memref_squeeze %dma_start3A_109 : memref<1x128x50xi32, #tpu.memory_space<hbm>> -> memref<128x50xi32, #tpu.memory_space<hbm>>
      tpu.enqueue_dma source(%dma_start3A_110 : memref<128x50xi32, #tpu.memory_space<hbm>>) target(%arg5 : memref<128x50xi32, #tpu.memory_space<vmem>>) target_semaphore(%run_scoped3A : memref<!tpu.dma_semaphore, #tpu.memory_space<semaphore_mem>>)
      %dma_wait3A = arith.constant 0 : i32
      %dma_wait3A_111 = arith.constant 0 : i32
      %dma_wait3A_112 = tpu.memref_slice %arg2[%add3A, %dma_wait3A, %dma_wait3A_111] : memref<32x128x50xi32, #tpu.memory_space<hbm>> -> memref<1x128x50xi32, #tpu.memory_space<hbm>>
      %dma_wait3A_113 = tpu.memref_squeeze %dma_wait3A_112 : memref<1x128x50xi32, #tpu.memory_space<hbm>> -> memref<128x50xi32, #tpu.memory_space<hbm>>
      %dma_wait3A_114 = arith.constant 0 : i32
      %dma_wait3A_115 = arith.constant 0 : i32
      %dma_wait3A_116 = tpu.memref_slice %arg2[%add3A, %dma_wait3A_114, %dma_wait3A_115] : memref<32x128x50xi32, #tpu.memory_space<hbm>> -> memref<1x128x50xi32, #tpu.memory_space<hbm>>
      %dma_wait3A_117 = tpu.memref_squeeze %dma_wait3A_116 : memref<1x128x50xi32, #tpu.memory_space<hbm>> -> memref<128x50xi32, #tpu.memory_space<hbm>>
      tpu.wait_dma2 semaphore(%run_scoped3A : memref<!tpu.dma_semaphore, #tpu.memory_space<semaphore_mem>>) src(%dma_wait3A_117 : memref<128x50xi32, #tpu.memory_space<hbm>>) dst(%arg5 : memref<128x50xi32, #tpu.memory_space<vmem>>)
      tpu.yield
    }) : () -> ()
    %dma_start3A = arith.constant 0 : i32
    %dma_start3A_3 = arith.constant 0 : i32
    %dma_start3A_4 = arith.constant 0 : i32
    %dma_start3A_5 = arith.constant 0 : i32
    %dma_start3A_6 = tpu.memref_slice %arg6[%dma_start3A_3, %dma_start3A_4, %dma_start3A_5] : memref<8x50x128xf32, #tpu.memory_space<vmem>> -> memref<1x50x128xf32, #tpu.memory_space<vmem>>
    %dma_start3A_7 = tpu.memref_squeeze %dma_start3A_6 : memref<1x50x128xf32, #tpu.memory_space<vmem>> -> memref<50x128xf32, #tpu.memory_space<vmem>>
    %dma_start3A_8 = arith.constant 0 : i32
    %dma_start3A_9 = tpu.memref_slice %arg5[%dma_start3A, %dma_start3A_8] : memref<128x50xi32, #tpu.memory_space<vmem>> -> memref<1x50xi32, #tpu.memory_space<vmem>>
    %dma_start3A_10 = tpu.memref_squeeze %dma_start3A_9 : memref<1x50xi32, #tpu.memory_space<vmem>> -> memref<50xi32, #tpu.memory_space<vmem>>
    %dma_start3A_11 = arith.constant 0 : i32
    %dma_start3A_12 = arith.constant 0 : i32
    %dma_start3A_13 = tpu.memref_slice %arg3[%dma_start3A_11, %dma_start3A_12] : memref<100000x128xf32, #tpu.memory_space<hbm>> -> memref<100000x128xf32, #tpu.memory_space<hbm>>
    tpu.enqueue_indirect_dma source(%dma_start3A_13 : memref<100000x128xf32, #tpu.memory_space<hbm>>) target(%dma_start3A_7 : memref<50x128xf32, #tpu.memory_space<vmem>>) offsets(%dma_start3A_10 : memref<50xi32, #tpu.memory_space<vmem>>) semaphore(%arg7 : memref<!tpu.dma_semaphore, #tpu.memory_space<semaphore_mem>>)
    %dma_start3A_14 = arith.constant 1 : i32
    %dma_start3A_15 = arith.constant 1 : i32
    %dma_start3A_16 = arith.constant 0 : i32
    %dma_start3A_17 = arith.constant 0 : i32
    %dma_start3A_18 = tpu.memref_slice %arg6[%dma_start3A_15, %dma_start3A_16, %dma_start3A_17] : memref<8x50x128xf32, #tpu.memory_space<vmem>> -> memref<1x50x128xf32, #tpu.memory_space<vmem>>
    %dma_start3A_19 = tpu.memref_squeeze %dma_start3A_18 : memref<1x50x128xf32, #tpu.memory_space<vmem>> -> memref<50x128xf32, #tpu.memory_space<vmem>>
    %dma_start3A_20 = arith.constant 0 : i32
    %dma_start3A_21 = tpu.memref_slice %arg5[%dma_start3A_14, %dma_start3A_20] : memref<128x50xi32, #tpu.memory_space<vmem>> -> memref<1x50xi32, #tpu.memory_space<vmem>>
    %dma_start3A_22 = tpu.memref_squeeze %dma_start3A_21 : memref<1x50xi32, #tpu.memory_space<vmem>> -> memref<50xi32, #tpu.memory_space<vmem>>
    %dma_start3A_23 = arith.constant 0 : i32
    %dma_start3A_24 = arith.constant 0 : i32
    %dma_start3A_25 = tpu.memref_slice %arg3[%dma_start3A_23, %dma_start3A_24] : memref<100000x128xf32, #tpu.memory_space<hbm>> -> memref<100000x128xf32, #tpu.memory_space<hbm>>
    tpu.enqueue_indirect_dma source(%dma_start3A_25 : memref<100000x128xf32, #tpu.memory_space<hbm>>) target(%dma_start3A_19 : memref<50x128xf32, #tpu.memory_space<vmem>>) offsets(%dma_start3A_22 : memref<50xi32, #tpu.memory_space<vmem>>) semaphore(%arg8 : memref<!tpu.dma_semaphore, #tpu.memory_space<semaphore_mem>>)
    %dma_start3A_26 = arith.constant 2 : i32
    %dma_start3A_27 = arith.constant 2 : i32
    %dma_start3A_28 = arith.constant 0 : i32
    %dma_start3A_29 = arith.constant 0 : i32
    %dma_start3A_30 = tpu.memref_slice %arg6[%dma_start3A_27, %dma_start3A_28, %dma_start3A_29] : memref<8x50x128xf32, #tpu.memory_space<vmem>> -> memref<1x50x128xf32, #tpu.memory_space<vmem>>
    %dma_start3A_31 = tpu.memref_squeeze %dma_start3A_30 : memref<1x50x128xf32, #tpu.memory_space<vmem>> -> memref<50x128xf32, #tpu.memory_space<vmem>>
    %dma_start3A_32 = arith.constant 0 : i32
    %dma_start3A_33 = tpu.memref_slice %arg5[%dma_start3A_26, %dma_start3A_32] : memref<128x50xi32, #tpu.memory_space<vmem>> -> memref<1x50xi32, #tpu.memory_space<vmem>>
    %dma_start3A_34 = tpu.memref_squeeze %dma_start3A_33 : memref<1x50xi32, #tpu.memory_space<vmem>> -> memref<50xi32, #tpu.memory_space<vmem>>
    %dma_start3A_35 = arith.constant 0 : i32
    %dma_start3A_36 = arith.constant 0 : i32
    %dma_start3A_37 = tpu.memref_slice %arg3[%dma_start3A_35, %dma_start3A_36] : memref<100000x128xf32, #tpu.memory_space<hbm>> -> memref<100000x128xf32, #tpu.memory_space<hbm>>
    tpu.enqueue_indirect_dma source(%dma_start3A_37 : memref<100000x128xf32, #tpu.memory_space<hbm>>) target(%dma_start3A_31 : memref<50x128xf32, #tpu.memory_space<vmem>>) offsets(%dma_start3A_34 : memref<50xi32, #tpu.memory_space<vmem>>) semaphore(%arg9 : memref<!tpu.dma_semaphore, #tpu.memory_space<semaphore_mem>>)
    %dma_start3A_38 = arith.constant 3 : i32
    %dma_start3A_39 = arith.constant 3 : i32
    %dma_start3A_40 = arith.constant 0 : i32
    %dma_start3A_41 = arith.constant 0 : i32
    %dma_start3A_42 = tpu.memref_slice %arg6[%dma_start3A_39, %dma_start3A_40, %dma_start3A_41] : memref<8x50x128xf32, #tpu.memory_space<vmem>> -> memref<1x50x128xf32, #tpu.memory_space<vmem>>
    %dma_start3A_43 = tpu.memref_squeeze %dma_start3A_42 : memref<1x50x128xf32, #tpu.memory_space<vmem>> -> memref<50x128xf32, #tpu.memory_space<vmem>>
    %dma_start3A_44 = arith.constant 0 : i32
    %dma_start3A_45 = tpu.memref_slice %arg5[%dma_start3A_38, %dma_start3A_44] : memref<128x50xi32, #tpu.memory_space<vmem>> -> memref<1x50xi32, #tpu.memory_space<vmem>>
    %dma_start3A_46 = tpu.memref_squeeze %dma_start3A_45 : memref<1x50xi32, #tpu.memory_space<vmem>> -> memref<50xi32, #tpu.memory_space<vmem>>
    %dma_start3A_47 = arith.constant 0 : i32
    %dma_start3A_48 = arith.constant 0 : i32
    %dma_start3A_49 = tpu.memref_slice %arg3[%dma_start3A_47, %dma_start3A_48] : memref<100000x128xf32, #tpu.memory_space<hbm>> -> memref<100000x128xf32, #tpu.memory_space<hbm>>
    tpu.enqueue_indirect_dma source(%dma_start3A_49 : memref<100000x128xf32, #tpu.memory_space<hbm>>) target(%dma_start3A_43 : memref<50x128xf32, #tpu.memory_space<vmem>>) offsets(%dma_start3A_46 : memref<50xi32, #tpu.memory_space<vmem>>) semaphore(%arg10 : memref<!tpu.dma_semaphore, #tpu.memory_space<semaphore_mem>>)
    %dma_start3A_50 = arith.constant 4 : i32
    %dma_start3A_51 = arith.constant 4 : i32
    %dma_start3A_52 = arith.constant 0 : i32
    %dma_start3A_53 = arith.constant 0 : i32
    %dma_start3A_54 = tpu.memref_slice %arg6[%dma_start3A_51, %dma_start3A_52, %dma_start3A_53] : memref<8x50x128xf32, #tpu.memory_space<vmem>> -> memref<1x50x128xf32, #tpu.memory_space<vmem>>
    %dma_start3A_55 = tpu.memref_squeeze %dma_start3A_54 : memref<1x50x128xf32, #tpu.memory_space<vmem>> -> memref<50x128xf32, #tpu.memory_space<vmem>>
    %dma_start3A_56 = arith.constant 0 : i32
    %dma_start3A_57 = tpu.memref_slice %arg5[%dma_start3A_50, %dma_start3A_56] : memref<128x50xi32, #tpu.memory_space<vmem>> -> memref<1x50xi32, #tpu.memory_space<vmem>>
    %dma_start3A_58 = tpu.memref_squeeze %dma_start3A_57 : memref<1x50xi32, #tpu.memory_space<vmem>> -> memref<50xi32, #tpu.memory_space<vmem>>
    %dma_start3A_59 = arith.constant 0 : i32
    %dma_start3A_60 = arith.constant 0 : i32
    %dma_start3A_61 = tpu.memref_slice %arg3[%dma_start3A_59, %dma_start3A_60] : memref<100000x128xf32, #tpu.memory_space<hbm>> -> memref<100000x128xf32, #tpu.memory_space<hbm>>
    tpu.enqueue_indirect_dma source(%dma_start3A_61 : memref<100000x128xf32, #tpu.memory_space<hbm>>) target(%dma_start3A_55 : memref<50x128xf32, #tpu.memory_space<vmem>>) offsets(%dma_start3A_58 : memref<50xi32, #tpu.memory_space<vmem>>) semaphore(%arg11 : memref<!tpu.dma_semaphore, #tpu.memory_space<semaphore_mem>>)
    %dma_start3A_62 = arith.constant 5 : i32
    %dma_start3A_63 = arith.constant 5 : i32
    %dma_start3A_64 = arith.constant 0 : i32
    %dma_start3A_65 = arith.constant 0 : i32
    %dma_start3A_66 = tpu.memref_slice %arg6[%dma_start3A_63, %dma_start3A_64, %dma_start3A_65] : memref<8x50x128xf32, #tpu.memory_space<vmem>> -> memref<1x50x128xf32, #tpu.memory_space<vmem>>
    %dma_start3A_67 = tpu.memref_squeeze %dma_start3A_66 : memref<1x50x128xf32, #tpu.memory_space<vmem>> -> memref<50x128xf32, #tpu.memory_space<vmem>>
    %dma_start3A_68 = arith.constant 0 : i32
    %dma_start3A_69 = tpu.memref_slice %arg5[%dma_start3A_62, %dma_start3A_68] : memref<128x50xi32, #tpu.memory_space<vmem>> -> memref<1x50xi32, #tpu.memory_space<vmem>>
    %dma_start3A_70 = tpu.memref_squeeze %dma_start3A_69 : memref<1x50xi32, #tpu.memory_space<vmem>> -> memref<50xi32, #tpu.memory_space<vmem>>
    %dma_start3A_71 = arith.constant 0 : i32
    %dma_start3A_72 = arith.constant 0 : i32
    %dma_start3A_73 = tpu.memref_slice %arg3[%dma_start3A_71, %dma_start3A_72] : memref<100000x128xf32, #tpu.memory_space<hbm>> -> memref<100000x128xf32, #tpu.memory_space<hbm>>
    tpu.enqueue_indirect_dma source(%dma_start3A_73 : memref<100000x128xf32, #tpu.memory_space<hbm>>) target(%dma_start3A_67 : memref<50x128xf32, #tpu.memory_space<vmem>>) offsets(%dma_start3A_70 : memref<50xi32, #tpu.memory_space<vmem>>) semaphore(%arg12 : memref<!tpu.dma_semaphore, #tpu.memory_space<semaphore_mem>>)
    %dma_start3A_74 = arith.constant 6 : i32
    %dma_start3A_75 = arith.constant 6 : i32
    %dma_start3A_76 = arith.constant 0 : i32
    %dma_start3A_77 = arith.constant 0 : i32
    %dma_start3A_78 = tpu.memref_slice %arg6[%dma_start3A_75, %dma_start3A_76, %dma_start3A_77] : memref<8x50x128xf32, #tpu.memory_space<vmem>> -> memref<1x50x128xf32, #tpu.memory_space<vmem>>
    %dma_start3A_79 = tpu.memref_squeeze %dma_start3A_78 : memref<1x50x128xf32, #tpu.memory_space<vmem>> -> memref<50x128xf32, #tpu.memory_space<vmem>>
    %dma_start3A_80 = arith.constant 0 : i32
    %dma_start3A_81 = tpu.memref_slice %arg5[%dma_start3A_74, %dma_start3A_80] : memref<128x50xi32, #tpu.memory_space<vmem>> -> memref<1x50xi32, #tpu.memory_space<vmem>>
    %dma_start3A_82 = tpu.memref_squeeze %dma_start3A_81 : memref<1x50xi32, #tpu.memory_space<vmem>> -> memref<50xi32, #tpu.memory_space<vmem>>
    %dma_start3A_83 = arith.constant 0 : i32
    %dma_start3A_84 = arith.constant 0 : i32
    %dma_start3A_85 = tpu.memref_slice %arg3[%dma_start3A_83, %dma_start3A_84] : memref<100000x128xf32, #tpu.memory_space<hbm>> -> memref<100000x128xf32, #tpu.memory_space<hbm>>
    tpu.enqueue_indirect_dma source(%dma_start3A_85 : memref<100000x128xf32, #tpu.memory_space<hbm>>) target(%dma_start3A_79 : memref<50x128xf32, #tpu.memory_space<vmem>>) offsets(%dma_start3A_82 : memref<50xi32, #tpu.memory_space<vmem>>) semaphore(%arg13 : memref<!tpu.dma_semaphore, #tpu.memory_space<semaphore_mem>>)
    %dma_start3A_86 = arith.constant 7 : i32
    %dma_start3A_87 = arith.constant 7 : i32
    %dma_start3A_88 = arith.constant 0 : i32
    %dma_start3A_89 = arith.constant 0 : i32
    %dma_start3A_90 = tpu.memref_slice %arg6[%dma_start3A_87, %dma_start3A_88, %dma_start3A_89] : memref<8x50x128xf32, #tpu.memory_space<vmem>> -> memref<1x50x128xf32, #tpu.memory_space<vmem>>
    %dma_start3A_91 = tpu.memref_squeeze %dma_start3A_90 : memref<1x50x128xf32, #tpu.memory_space<vmem>> -> memref<50x128xf32, #tpu.memory_space<vmem>>
    %dma_start3A_92 = arith.constant 0 : i32
    %dma_start3A_93 = tpu.memref_slice %arg5[%dma_start3A_86, %dma_start3A_92] : memref<128x50xi32, #tpu.memory_space<vmem>> -> memref<1x50xi32, #tpu.memory_space<vmem>>
    %dma_start3A_94 = tpu.memref_squeeze %dma_start3A_93 : memref<1x50xi32, #tpu.memory_space<vmem>> -> memref<50xi32, #tpu.memory_space<vmem>>
    %dma_start3A_95 = arith.constant 0 : i32
    %dma_start3A_96 = arith.constant 0 : i32
    %dma_start3A_97 = tpu.memref_slice %arg3[%dma_start3A_95, %dma_start3A_96] : memref<100000x128xf32, #tpu.memory_space<hbm>> -> memref<100000x128xf32, #tpu.memory_space<hbm>>
    tpu.enqueue_indirect_dma source(%dma_start3A_97 : memref<100000x128xf32, #tpu.memory_space<hbm>>) target(%dma_start3A_91 : memref<50x128xf32, #tpu.memory_space<vmem>>) offsets(%dma_start3A_94 : memref<50xi32, #tpu.memory_space<vmem>>) semaphore(%arg14 : memref<!tpu.dma_semaphore, #tpu.memory_space<semaphore_mem>>)
    %scan3A = arith.constant 0 : i32
    %scan3A_98 = arith.constant 0 : i32
    %scan3A_99 = arith.constant 16 : i32
    %scan3A_100 = arith.addi %scan3A_98, %scan3A_99 : i32
    %scan3A_101 = arith.constant 1 : i32
    scf.for %scan3A_103 = %scan3A_98 to %scan3A_100 step %scan3A_101  : i32 {
      %mul3A_104 = arith.constant 8 : i32
      %mul3A_105 = arith.muli %scan3A_103, %mul3A_104 : i32
      %dma_wait3A = arith.constant 0 : i32
      %dma_wait3A_106 = arith.constant 0 : i32
      %dma_wait3A_107 = arith.constant 0 : i32
      %dma_wait3A_108 = arith.constant 0 : i32
      %dma_wait3A_109 = tpu.memref_slice %arg6[%dma_wait3A_106, %dma_wait3A_107, %dma_wait3A_108] : memref<8x50x128xf32, #tpu.memory_space<vmem>> -> memref<1x50x128xf32, #tpu.memory_space<vmem>>
      %dma_wait3A_110 = tpu.memref_squeeze %dma_wait3A_109 : memref<1x50x128xf32, #tpu.memory_space<vmem>> -> memref<50x128xf32, #tpu.memory_space<vmem>>
      %dma_wait3A_111 = arith.constant 0 : i32
      %dma_wait3A_112 = tpu.memref_slice %arg5[%dma_wait3A, %dma_wait3A_111] : memref<128x50xi32, #tpu.memory_space<vmem>> -> memref<1x50xi32, #tpu.memory_space<vmem>>
      %dma_wait3A_113 = tpu.memref_squeeze %dma_wait3A_112 : memref<1x50xi32, #tpu.memory_space<vmem>> -> memref<50xi32, #tpu.memory_space<vmem>>
      %dma_wait3A_114 = arith.constant 0 : i32
      %dma_wait3A_115 = arith.constant 0 : i32
      %dma_wait3A_116 = tpu.memref_slice %arg3[%dma_wait3A_114, %dma_wait3A_115] : memref<100000x128xf32, #tpu.memory_space<hbm>> -> memref<100000x128xf32, #tpu.memory_space<hbm>>
      tpu.wait_indirect_dma semaphore(%arg7 : memref<!tpu.dma_semaphore, #tpu.memory_space<semaphore_mem>>) src(%dma_wait3A_116 : memref<100000x128xf32, #tpu.memory_space<hbm>>) dst(%dma_wait3A_110 : memref<50x128xf32, #tpu.memory_space<vmem>>)
      %add3A_117 = arith.addi %mul3A_2, %mul3A_105 : i32
      %add3A_118 = arith.constant 0 : i32
      %add3A_119 = arith.addi %add3A_117, %add3A_118 : i32
      %dma_start3A_120 = arith.constant 0 : i32
      %dma_start3A_121 = arith.constant 0 : i32
      %dma_start3A_122 = arith.constant 0 : i32
      %dma_start3A_123 = tpu.memref_slice %arg6[%dma_start3A_120, %dma_start3A_121, %dma_start3A_122] : memref<8x50x128xf32, #tpu.memory_space<vmem>> -> memref<1x50x128xf32, #tpu.memory_space<vmem>>
      %dma_start3A_124 = tpu.memref_squeeze %dma_start3A_123 : memref<1x50x128xf32, #tpu.memory_space<vmem>> -> memref<50x128xf32, #tpu.memory_space<vmem>>
      %dma_start3A_125 = arith.constant 0 : i32
      %dma_start3A_126 = arith.constant 0 : i32
      %dma_start3A_127 = tpu.memref_slice %arg4[%add3A_119, %dma_start3A_125, %dma_start3A_126] : memref<4096x50x128xf32, #tpu.memory_space<hbm>> -> memref<1x50x128xf32, #tpu.memory_space<hbm>>
      %dma_start3A_128 = tpu.memref_squeeze %dma_start3A_127 : memref<1x50x128xf32, #tpu.memory_space<hbm>> -> memref<50x128xf32, #tpu.memory_space<hbm>>
      %dma_start3A_129 = arith.constant 0 : i32
      %dma_start3A_130 = arith.constant 0 : i32
      %dma_start3A_131 = tpu.memref_slice %arg4[%add3A_119, %dma_start3A_129, %dma_start3A_130] : memref<4096x50x128xf32, #tpu.memory_space<hbm>> -> memref<1x50x128xf32, #tpu.memory_space<hbm>>
      %dma_start3A_132 = tpu.memref_squeeze %dma_start3A_131 : memref<1x50x128xf32, #tpu.memory_space<hbm>> -> memref<50x128xf32, #tpu.memory_space<hbm>>
      %dma_start3A_133 = arith.constant 0 : i32
      %dma_start3A_134 = arith.constant 0 : i32
      %dma_start3A_135 = tpu.memref_slice %arg6[%dma_start3A_120, %dma_start3A_133, %dma_start3A_134] : memref<8x50x128xf32, #tpu.memory_space<vmem>> -> memref<1x50x128xf32, #tpu.memory_space<vmem>>
      %dma_start3A_136 = tpu.memref_squeeze %dma_start3A_135 : memref<1x50x128xf32, #tpu.memory_space<vmem>> -> memref<50x128xf32, #tpu.memory_space<vmem>>
      tpu.enqueue_dma source(%dma_start3A_136 : memref<50x128xf32, #tpu.memory_space<vmem>>) target(%dma_start3A_132 : memref<50x128xf32, #tpu.memory_space<hbm>>) target_semaphore(%arg15 : memref<!tpu.dma_semaphore, #tpu.memory_space<semaphore_mem>>)
      %dma_wait3A_137 = arith.constant 1 : i32
      %dma_wait3A_138 = arith.constant 1 : i32
      %dma_wait3A_139 = arith.constant 0 : i32
      %dma_wait3A_140 = arith.constant 0 : i32
      %dma_wait3A_141 = tpu.memref_slice %arg6[%dma_wait3A_138, %dma_wait3A_139, %dma_wait3A_140] : memref<8x50x128xf32, #tpu.memory_space<vmem>> -> memref<1x50x128xf32, #tpu.memory_space<vmem>>
      %dma_wait3A_142 = tpu.memref_squeeze %dma_wait3A_141 : memref<1x50x128xf32, #tpu.memory_space<vmem>> -> memref<50x128xf32, #tpu.memory_space<vmem>>
      %dma_wait3A_143 = arith.constant 0 : i32
      %dma_wait3A_144 = tpu.memref_slice %arg5[%dma_wait3A_137, %dma_wait3A_143] : memref<128x50xi32, #tpu.memory_space<vmem>> -> memref<1x50xi32, #tpu.memory_space<vmem>>
      %dma_wait3A_145 = tpu.memref_squeeze %dma_wait3A_144 : memref<1x50xi32, #tpu.memory_space<vmem>> -> memref<50xi32, #tpu.memory_space<vmem>>
      %dma_wait3A_146 = arith.constant 0 : i32
      %dma_wait3A_147 = arith.constant 0 : i32
      %dma_wait3A_148 = tpu.memref_slice %arg3[%dma_wait3A_146, %dma_wait3A_147] : memref<100000x128xf32, #tpu.memory_space<hbm>> -> memref<100000x128xf32, #tpu.memory_space<hbm>>
      tpu.wait_indirect_dma semaphore(%arg8 : memref<!tpu.dma_semaphore, #tpu.memory_space<semaphore_mem>>) src(%dma_wait3A_148 : memref<100000x128xf32, #tpu.memory_space<hbm>>) dst(%dma_wait3A_142 : memref<50x128xf32, #tpu.memory_space<vmem>>)
      %add3A_149 = arith.addi %mul3A_2, %mul3A_105 : i32
      %add3A_150 = arith.constant 1 : i32
      %add3A_151 = arith.addi %add3A_149, %add3A_150 : i32
      %dma_start3A_152 = arith.constant 1 : i32
      %dma_start3A_153 = arith.constant 0 : i32
      %dma_start3A_154 = arith.constant 0 : i32
      %dma_start3A_155 = tpu.memref_slice %arg6[%dma_start3A_152, %dma_start3A_153, %dma_start3A_154] : memref<8x50x128xf32, #tpu.memory_space<vmem>> -> memref<1x50x128xf32, #tpu.memory_space<vmem>>
      %dma_start3A_156 = tpu.memref_squeeze %dma_start3A_155 : memref<1x50x128xf32, #tpu.memory_space<vmem>> -> memref<50x128xf32, #tpu.memory_space<vmem>>
      %dma_start3A_157 = arith.constant 0 : i32
      %dma_start3A_158 = arith.constant 0 : i32
      %dma_start3A_159 = tpu.memref_slice %arg4[%add3A_151, %dma_start3A_157, %dma_start3A_158] : memref<4096x50x128xf32, #tpu.memory_space<hbm>> -> memref<1x50x128xf32, #tpu.memory_space<hbm>>
      %dma_start3A_160 = tpu.memref_squeeze %dma_start3A_159 : memref<1x50x128xf32, #tpu.memory_space<hbm>> -> memref<50x128xf32, #tpu.memory_space<hbm>>
      %dma_start3A_161 = arith.constant 0 : i32
      %dma_start3A_162 = arith.constant 0 : i32
      %dma_start3A_163 = tpu.memref_slice %arg4[%add3A_151, %dma_start3A_161, %dma_start3A_162] : memref<4096x50x128xf32, #tpu.memory_space<hbm>> -> memref<1x50x128xf32, #tpu.memory_space<hbm>>
      %dma_start3A_164 = tpu.memref_squeeze %dma_start3A_163 : memref<1x50x128xf32, #tpu.memory_space<hbm>> -> memref<50x128xf32, #tpu.memory_space<hbm>>
      %dma_start3A_165 = arith.constant 0 : i32
      %dma_start3A_166 = arith.constant 0 : i32
      %dma_start3A_167 = tpu.memref_slice %arg6[%dma_start3A_152, %dma_start3A_165, %dma_start3A_166] : memref<8x50x128xf32, #tpu.memory_space<vmem>> -> memref<1x50x128xf32, #tpu.memory_space<vmem>>
      %dma_start3A_168 = tpu.memref_squeeze %dma_start3A_167 : memref<1x50x128xf32, #tpu.memory_space<vmem>> -> memref<50x128xf32, #tpu.memory_space<vmem>>
      tpu.enqueue_dma source(%dma_start3A_168 : memref<50x128xf32, #tpu.memory_space<vmem>>) target(%dma_start3A_164 : memref<50x128xf32, #tpu.memory_space<hbm>>) target_semaphore(%arg16 : memref<!tpu.dma_semaphore, #tpu.memory_space<semaphore_mem>>)
      %dma_wait3A_169 = arith.constant 2 : i32
      %dma_wait3A_170 = arith.constant 2 : i32
      %dma_wait3A_171 = arith.constant 0 : i32
      %dma_wait3A_172 = arith.constant 0 : i32
      %dma_wait3A_173 = tpu.memref_slice %arg6[%dma_wait3A_170, %dma_wait3A_171, %dma_wait3A_172] : memref<8x50x128xf32, #tpu.memory_space<vmem>> -> memref<1x50x128xf32, #tpu.memory_space<vmem>>
      %dma_wait3A_174 = tpu.memref_squeeze %dma_wait3A_173 : memref<1x50x128xf32, #tpu.memory_space<vmem>> -> memref<50x128xf32, #tpu.memory_space<vmem>>
      %dma_wait3A_175 = arith.constant 0 : i32
      %dma_wait3A_176 = tpu.memref_slice %arg5[%dma_wait3A_169, %dma_wait3A_175] : memref<128x50xi32, #tpu.memory_space<vmem>> -> memref<1x50xi32, #tpu.memory_space<vmem>>
      %dma_wait3A_177 = tpu.memref_squeeze %dma_wait3A_176 : memref<1x50xi32, #tpu.memory_space<vmem>> -> memref<50xi32, #tpu.memory_space<vmem>>
      %dma_wait3A_178 = arith.constant 0 : i32
      %dma_wait3A_179 = arith.constant 0 : i32
      %dma_wait3A_180 = tpu.memref_slice %arg3[%dma_wait3A_178, %dma_wait3A_179] : memref<100000x128xf32, #tpu.memory_space<hbm>> -> memref<100000x128xf32, #tpu.memory_space<hbm>>
      tpu.wait_indirect_dma semaphore(%arg9 : memref<!tpu.dma_semaphore, #tpu.memory_space<semaphore_mem>>) src(%dma_wait3A_180 : memref<100000x128xf32, #tpu.memory_space<hbm>>) dst(%dma_wait3A_174 : memref<50x128xf32, #tpu.memory_space<vmem>>)
      %add3A_181 = arith.addi %mul3A_2, %mul3A_105 : i32
      %add3A_182 = arith.constant 2 : i32
      %add3A_183 = arith.addi %add3A_181, %add3A_182 : i32
      %dma_start3A_184 = arith.constant 2 : i32
      %dma_start3A_185 = arith.constant 0 : i32
      %dma_start3A_186 = arith.constant 0 : i32
      %dma_start3A_187 = tpu.memref_slice %arg6[%dma_start3A_184, %dma_start3A_185, %dma_start3A_186] : memref<8x50x128xf32, #tpu.memory_space<vmem>> -> memref<1x50x128xf32, #tpu.memory_space<vmem>>
      %dma_start3A_188 = tpu.memref_squeeze %dma_start3A_187 : memref<1x50x128xf32, #tpu.memory_space<vmem>> -> memref<50x128xf32, #tpu.memory_space<vmem>>
      %dma_start3A_189 = arith.constant 0 : i32
      %dma_start3A_190 = arith.constant 0 : i32
      %dma_start3A_191 = tpu.memref_slice %arg4[%add3A_183, %dma_start3A_189, %dma_start3A_190] : memref<4096x50x128xf32, #tpu.memory_space<hbm>> -> memref<1x50x128xf32, #tpu.memory_space<hbm>>
      %dma_start3A_192 = tpu.memref_squeeze %dma_start3A_191 : memref<1x50x128xf32, #tpu.memory_space<hbm>> -> memref<50x128xf32, #tpu.memory_space<hbm>>
      %dma_start3A_193 = arith.constant 0 : i32
      %dma_start3A_194 = arith.constant 0 : i32
      %dma_start3A_195 = tpu.memref_slice %arg4[%add3A_183, %dma_start3A_193, %dma_start3A_194] : memref<4096x50x128xf32, #tpu.memory_space<hbm>> -> memref<1x50x128xf32, #tpu.memory_space<hbm>>
      %dma_start3A_196 = tpu.memref_squeeze %dma_start3A_195 : memref<1x50x128xf32, #tpu.memory_space<hbm>> -> memref<50x128xf32, #tpu.memory_space<hbm>>
      %dma_start3A_197 = arith.constant 0 : i32
      %dma_start3A_198 = arith.constant 0 : i32
      %dma_start3A_199 = tpu.memref_slice %arg6[%dma_start3A_184, %dma_start3A_197, %dma_start3A_198] : memref<8x50x128xf32, #tpu.memory_space<vmem>> -> memref<1x50x128xf32, #tpu.memory_space<vmem>>
      %dma_start3A_200 = tpu.memref_squeeze %dma_start3A_199 : memref<1x50x128xf32, #tpu.memory_space<vmem>> -> memref<50x128xf32, #tpu.memory_space<vmem>>
      tpu.enqueue_dma source(%dma_start3A_200 : memref<50x128xf32, #tpu.memory_space<vmem>>) target(%dma_start3A_196 : memref<50x128xf32, #tpu.memory_space<hbm>>) target_semaphore(%arg17 : memref<!tpu.dma_semaphore, #tpu.memory_space<semaphore_mem>>)
      %dma_wait3A_201 = arith.constant 3 : i32
      %dma_wait3A_202 = arith.constant 3 : i32
      %dma_wait3A_203 = arith.constant 0 : i32
      %dma_wait3A_204 = arith.constant 0 : i32
      %dma_wait3A_205 = tpu.memref_slice %arg6[%dma_wait3A_202, %dma_wait3A_203, %dma_wait3A_204] : memref<8x50x128xf32, #tpu.memory_space<vmem>> -> memref<1x50x128xf32, #tpu.memory_space<vmem>>
      %dma_wait3A_206 = tpu.memref_squeeze %dma_wait3A_205 : memref<1x50x128xf32, #tpu.memory_space<vmem>> -> memref<50x128xf32, #tpu.memory_space<vmem>>
      %dma_wait3A_207 = arith.constant 0 : i32
      %dma_wait3A_208 = tpu.memref_slice %arg5[%dma_wait3A_201, %dma_wait3A_207] : memref<128x50xi32, #tpu.memory_space<vmem>> -> memref<1x50xi32, #tpu.memory_space<vmem>>
      %dma_wait3A_209 = tpu.memref_squeeze %dma_wait3A_208 : memref<1x50xi32, #tpu.memory_space<vmem>> -> memref<50xi32, #tpu.memory_space<vmem>>
      %dma_wait3A_210 = arith.constant 0 : i32
      %dma_wait3A_211 = arith.constant 0 : i32
      %dma_wait3A_212 = tpu.memref_slice %arg3[%dma_wait3A_210, %dma_wait3A_211] : memref<100000x128xf32, #tpu.memory_space<hbm>> -> memref<100000x128xf32, #tpu.memory_space<hbm>>
      tpu.wait_indirect_dma semaphore(%arg10 : memref<!tpu.dma_semaphore, #tpu.memory_space<semaphore_mem>>) src(%dma_wait3A_212 : memref<100000x128xf32, #tpu.memory_space<hbm>>) dst(%dma_wait3A_206 : memref<50x128xf32, #tpu.memory_space<vmem>>)
      %add3A_213 = arith.addi %mul3A_2, %mul3A_105 : i32
      %add3A_214 = arith.constant 3 : i32
      %add3A_215 = arith.addi %add3A_213, %add3A_214 : i32
      %dma_start3A_216 = arith.constant 3 : i32
      %dma_start3A_217 = arith.constant 0 : i32
      %dma_start3A_218 = arith.constant 0 : i32
      %dma_start3A_219 = tpu.memref_slice %arg6[%dma_start3A_216, %dma_start3A_217, %dma_start3A_218] : memref<8x50x128xf32, #tpu.memory_space<vmem>> -> memref<1x50x128xf32, #tpu.memory_space<vmem>>
      %dma_start3A_220 = tpu.memref_squeeze %dma_start3A_219 : memref<1x50x128xf32, #tpu.memory_space<vmem>> -> memref<50x128xf32, #tpu.memory_space<vmem>>
      %dma_start3A_221 = arith.constant 0 : i32
      %dma_start3A_222 = arith.constant 0 : i32
      %dma_start3A_223 = tpu.memref_slice %arg4[%add3A_215, %dma_start3A_221, %dma_start3A_222] : memref<4096x50x128xf32, #tpu.memory_space<hbm>> -> memref<1x50x128xf32, #tpu.memory_space<hbm>>
      %dma_start3A_224 = tpu.memref_squeeze %dma_start3A_223 : memref<1x50x128xf32, #tpu.memory_space<hbm>> -> memref<50x128xf32, #tpu.memory_space<hbm>>
      %dma_start3A_225 = arith.constant 0 : i32
      %dma_start3A_226 = arith.constant 0 : i32
      %dma_start3A_227 = tpu.memref_slice %arg4[%add3A_215, %dma_start3A_225, %dma_start3A_226] : memref<4096x50x128xf32, #tpu.memory_space<hbm>> -> memref<1x50x128xf32, #tpu.memory_space<hbm>>
      %dma_start3A_228 = tpu.memref_squeeze %dma_start3A_227 : memref<1x50x128xf32, #tpu.memory_space<hbm>> -> memref<50x128xf32, #tpu.memory_space<hbm>>
      %dma_start3A_229 = arith.constant 0 : i32
      %dma_start3A_230 = arith.constant 0 : i32
      %dma_start3A_231 = tpu.memref_slice %arg6[%dma_start3A_216, %dma_start3A_229, %dma_start3A_230] : memref<8x50x128xf32, #tpu.memory_space<vmem>> -> memref<1x50x128xf32, #tpu.memory_space<vmem>>
      %dma_start3A_232 = tpu.memref_squeeze %dma_start3A_231 : memref<1x50x128xf32, #tpu.memory_space<vmem>> -> memref<50x128xf32, #tpu.memory_space<vmem>>
      tpu.enqueue_dma source(%dma_start3A_232 : memref<50x128xf32, #tpu.memory_space<vmem>>) target(%dma_start3A_228 : memref<50x128xf32, #tpu.memory_space<hbm>>) target_semaphore(%arg18 : memref<!tpu.dma_semaphore, #tpu.memory_space<semaphore_mem>>)
      %dma_wait3A_233 = arith.constant 4 : i32
      %dma_wait3A_234 = arith.constant 4 : i32
      %dma_wait3A_235 = arith.constant 0 : i32
      %dma_wait3A_236 = arith.constant 0 : i32
      %dma_wait3A_237 = tpu.memref_slice %arg6[%dma_wait3A_234, %dma_wait3A_235, %dma_wait3A_236] : memref<8x50x128xf32, #tpu.memory_space<vmem>> -> memref<1x50x128xf32, #tpu.memory_space<vmem>>
      %dma_wait3A_238 = tpu.memref_squeeze %dma_wait3A_237 : memref<1x50x128xf32, #tpu.memory_space<vmem>> -> memref<50x128xf32, #tpu.memory_space<vmem>>
      %dma_wait3A_239 = arith.constant 0 : i32
      %dma_wait3A_240 = tpu.memref_slice %arg5[%dma_wait3A_233, %dma_wait3A_239] : memref<128x50xi32, #tpu.memory_space<vmem>> -> memref<1x50xi32, #tpu.memory_space<vmem>>
      %dma_wait3A_241 = tpu.memref_squeeze %dma_wait3A_240 : memref<1x50xi32, #tpu.memory_space<vmem>> -> memref<50xi32, #tpu.memory_space<vmem>>
      %dma_wait3A_242 = arith.constant 0 : i32
      %dma_wait3A_243 = arith.constant 0 : i32
      %dma_wait3A_244 = tpu.memref_slice %arg3[%dma_wait3A_242, %dma_wait3A_243] : memref<100000x128xf32, #tpu.memory_space<hbm>> -> memref<100000x128xf32, #tpu.memory_space<hbm>>
      tpu.wait_indirect_dma semaphore(%arg11 : memref<!tpu.dma_semaphore, #tpu.memory_space<semaphore_mem>>) src(%dma_wait3A_244 : memref<100000x128xf32, #tpu.memory_space<hbm>>) dst(%dma_wait3A_238 : memref<50x128xf32, #tpu.memory_space<vmem>>)
      %add3A_245 = arith.addi %mul3A_2, %mul3A_105 : i32
      %add3A_246 = arith.constant 4 : i32
      %add3A_247 = arith.addi %add3A_245, %add3A_246 : i32
      %dma_start3A_248 = arith.constant 4 : i32
      %dma_start3A_249 = arith.constant 0 : i32
      %dma_start3A_250 = arith.constant 0 : i32
      %dma_start3A_251 = tpu.memref_slice %arg6[%dma_start3A_248, %dma_start3A_249, %dma_start3A_250] : memref<8x50x128xf32, #tpu.memory_space<vmem>> -> memref<1x50x128xf32, #tpu.memory_space<vmem>>
      %dma_start3A_252 = tpu.memref_squeeze %dma_start3A_251 : memref<1x50x128xf32, #tpu.memory_space<vmem>> -> memref<50x128xf32, #tpu.memory_space<vmem>>
      %dma_start3A_253 = arith.constant 0 : i32
      %dma_start3A_254 = arith.constant 0 : i32
      %dma_start3A_255 = tpu.memref_slice %arg4[%add3A_247, %dma_start3A_253, %dma_start3A_254] : memref<4096x50x128xf32, #tpu.memory_space<hbm>> -> memref<1x50x128xf32, #tpu.memory_space<hbm>>
      %dma_start3A_256 = tpu.memref_squeeze %dma_start3A_255 : memref<1x50x128xf32, #tpu.memory_space<hbm>> -> memref<50x128xf32, #tpu.memory_space<hbm>>
      %dma_start3A_257 = arith.constant 0 : i32
      %dma_start3A_258 = arith.constant 0 : i32
      %dma_start3A_259 = tpu.memref_slice %arg4[%add3A_247, %dma_start3A_257, %dma_start3A_258] : memref<4096x50x128xf32, #tpu.memory_space<hbm>> -> memref<1x50x128xf32, #tpu.memory_space<hbm>>
      %dma_start3A_260 = tpu.memref_squeeze %dma_start3A_259 : memref<1x50x128xf32, #tpu.memory_space<hbm>> -> memref<50x128xf32, #tpu.memory_space<hbm>>
      %dma_start3A_261 = arith.constant 0 : i32
      %dma_start3A_262 = arith.constant 0 : i32
      %dma_start3A_263 = tpu.memref_slice %arg6[%dma_start3A_248, %dma_start3A_261, %dma_start3A_262] : memref<8x50x128xf32, #tpu.memory_space<vmem>> -> memref<1x50x128xf32, #tpu.memory_space<vmem>>
      %dma_start3A_264 = tpu.memref_squeeze %dma_start3A_263 : memref<1x50x128xf32, #tpu.memory_space<vmem>> -> memref<50x128xf32, #tpu.memory_space<vmem>>
      tpu.enqueue_dma source(%dma_start3A_264 : memref<50x128xf32, #tpu.memory_space<vmem>>) target(%dma_start3A_260 : memref<50x128xf32, #tpu.memory_space<hbm>>) target_semaphore(%arg19 : memref<!tpu.dma_semaphore, #tpu.memory_space<semaphore_mem>>)
      %dma_wait3A_265 = arith.constant 5 : i32
      %dma_wait3A_266 = arith.constant 5 : i32
      %dma_wait3A_267 = arith.constant 0 : i32
      %dma_wait3A_268 = arith.constant 0 : i32
      %dma_wait3A_269 = tpu.memref_slice %arg6[%dma_wait3A_266, %dma_wait3A_267, %dma_wait3A_268] : memref<8x50x128xf32, #tpu.memory_space<vmem>> -> memref<1x50x128xf32, #tpu.memory_space<vmem>>
      %dma_wait3A_270 = tpu.memref_squeeze %dma_wait3A_269 : memref<1x50x128xf32, #tpu.memory_space<vmem>> -> memref<50x128xf32, #tpu.memory_space<vmem>>
      %dma_wait3A_271 = arith.constant 0 : i32
      %dma_wait3A_272 = tpu.memref_slice %arg5[%dma_wait3A_265, %dma_wait3A_271] : memref<128x50xi32, #tpu.memory_space<vmem>> -> memref<1x50xi32, #tpu.memory_space<vmem>>
      %dma_wait3A_273 = tpu.memref_squeeze %dma_wait3A_272 : memref<1x50xi32, #tpu.memory_space<vmem>> -> memref<50xi32, #tpu.memory_space<vmem>>
      %dma_wait3A_274 = arith.constant 0 : i32
      %dma_wait3A_275 = arith.constant 0 : i32
      %dma_wait3A_276 = tpu.memref_slice %arg3[%dma_wait3A_274, %dma_wait3A_275] : memref<100000x128xf32, #tpu.memory_space<hbm>> -> memref<100000x128xf32, #tpu.memory_space<hbm>>
      tpu.wait_indirect_dma semaphore(%arg12 : memref<!tpu.dma_semaphore, #tpu.memory_space<semaphore_mem>>) src(%dma_wait3A_276 : memref<100000x128xf32, #tpu.memory_space<hbm>>) dst(%dma_wait3A_270 : memref<50x128xf32, #tpu.memory_space<vmem>>)
      %add3A_277 = arith.addi %mul3A_2, %mul3A_105 : i32
      %add3A_278 = arith.constant 5 : i32
      %add3A_279 = arith.addi %add3A_277, %add3A_278 : i32
      %dma_start3A_280 = arith.constant 5 : i32
      %dma_start3A_281 = arith.constant 0 : i32
      %dma_start3A_282 = arith.constant 0 : i32
      %dma_start3A_283 = tpu.memref_slice %arg6[%dma_start3A_280, %dma_start3A_281, %dma_start3A_282] : memref<8x50x128xf32, #tpu.memory_space<vmem>> -> memref<1x50x128xf32, #tpu.memory_space<vmem>>
      %dma_start3A_284 = tpu.memref_squeeze %dma_start3A_283 : memref<1x50x128xf32, #tpu.memory_space<vmem>> -> memref<50x128xf32, #tpu.memory_space<vmem>>
      %dma_start3A_285 = arith.constant 0 : i32
      %dma_start3A_286 = arith.constant 0 : i32
      %dma_start3A_287 = tpu.memref_slice %arg4[%add3A_279, %dma_start3A_285, %dma_start3A_286] : memref<4096x50x128xf32, #tpu.memory_space<hbm>> -> memref<1x50x128xf32, #tpu.memory_space<hbm>>
      %dma_start3A_288 = tpu.memref_squeeze %dma_start3A_287 : memref<1x50x128xf32, #tpu.memory_space<hbm>> -> memref<50x128xf32, #tpu.memory_space<hbm>>
      %dma_start3A_289 = arith.constant 0 : i32
      %dma_start3A_290 = arith.constant 0 : i32
      %dma_start3A_291 = tpu.memref_slice %arg4[%add3A_279, %dma_start3A_289, %dma_start3A_290] : memref<4096x50x128xf32, #tpu.memory_space<hbm>> -> memref<1x50x128xf32, #tpu.memory_space<hbm>>
      %dma_start3A_292 = tpu.memref_squeeze %dma_start3A_291 : memref<1x50x128xf32, #tpu.memory_space<hbm>> -> memref<50x128xf32, #tpu.memory_space<hbm>>
      %dma_start3A_293 = arith.constant 0 : i32
      %dma_start3A_294 = arith.constant 0 : i32
      %dma_start3A_295 = tpu.memref_slice %arg6[%dma_start3A_280, %dma_start3A_293, %dma_start3A_294] : memref<8x50x128xf32, #tpu.memory_space<vmem>> -> memref<1x50x128xf32, #tpu.memory_space<vmem>>
      %dma_start3A_296 = tpu.memref_squeeze %dma_start3A_295 : memref<1x50x128xf32, #tpu.memory_space<vmem>> -> memref<50x128xf32, #tpu.memory_space<vmem>>
      tpu.enqueue_dma source(%dma_start3A_296 : memref<50x128xf32, #tpu.memory_space<vmem>>) target(%dma_start3A_292 : memref<50x128xf32, #tpu.memory_space<hbm>>) target_semaphore(%arg20 : memref<!tpu.dma_semaphore, #tpu.memory_space<semaphore_mem>>)
      %dma_wait3A_297 = arith.constant 6 : i32
      %dma_wait3A_298 = arith.constant 6 : i32
      %dma_wait3A_299 = arith.constant 0 : i32
      %dma_wait3A_300 = arith.constant 0 : i32
      %dma_wait3A_301 = tpu.memref_slice %arg6[%dma_wait3A_298, %dma_wait3A_299, %dma_wait3A_300] : memref<8x50x128xf32, #tpu.memory_space<vmem>> -> memref<1x50x128xf32, #tpu.memory_space<vmem>>
      %dma_wait3A_302 = tpu.memref_squeeze %dma_wait3A_301 : memref<1x50x128xf32, #tpu.memory_space<vmem>> -> memref<50x128xf32, #tpu.memory_space<vmem>>
      %dma_wait3A_303 = arith.constant 0 : i32
      %dma_wait3A_304 = tpu.memref_slice %arg5[%dma_wait3A_297, %dma_wait3A_303] : memref<128x50xi32, #tpu.memory_space<vmem>> -> memref<1x50xi32, #tpu.memory_space<vmem>>
      %dma_wait3A_305 = tpu.memref_squeeze %dma_wait3A_304 : memref<1x50xi32, #tpu.memory_space<vmem>> -> memref<50xi32, #tpu.memory_space<vmem>>
      %dma_wait3A_306 = arith.constant 0 : i32
      %dma_wait3A_307 = arith.constant 0 : i32
      %dma_wait3A_308 = tpu.memref_slice %arg3[%dma_wait3A_306, %dma_wait3A_307] : memref<100000x128xf32, #tpu.memory_space<hbm>> -> memref<100000x128xf32, #tpu.memory_space<hbm>>
      tpu.wait_indirect_dma semaphore(%arg13 : memref<!tpu.dma_semaphore, #tpu.memory_space<semaphore_mem>>) src(%dma_wait3A_308 : memref<100000x128xf32, #tpu.memory_space<hbm>>) dst(%dma_wait3A_302 : memref<50x128xf32, #tpu.memory_space<vmem>>)
      %add3A_309 = arith.addi %mul3A_2, %mul3A_105 : i32
      %add3A_310 = arith.constant 6 : i32
      %add3A_311 = arith.addi %add3A_309, %add3A_310 : i32
      %dma_start3A_312 = arith.constant 6 : i32
      %dma_start3A_313 = arith.constant 0 : i32
      %dma_start3A_314 = arith.constant 0 : i32
      %dma_start3A_315 = tpu.memref_slice %arg6[%dma_start3A_312, %dma_start3A_313, %dma_start3A_314] : memref<8x50x128xf32, #tpu.memory_space<vmem>> -> memref<1x50x128xf32, #tpu.memory_space<vmem>>
      %dma_start3A_316 = tpu.memref_squeeze %dma_start3A_315 : memref<1x50x128xf32, #tpu.memory_space<vmem>> -> memref<50x128xf32, #tpu.memory_space<vmem>>
      %dma_start3A_317 = arith.constant 0 : i32
      %dma_start3A_318 = arith.constant 0 : i32
      %dma_start3A_319 = tpu.memref_slice %arg4[%add3A_311, %dma_start3A_317, %dma_start3A_318] : memref<4096x50x128xf32, #tpu.memory_space<hbm>> -> memref<1x50x128xf32, #tpu.memory_space<hbm>>
      %dma_start3A_320 = tpu.memref_squeeze %dma_start3A_319 : memref<1x50x128xf32, #tpu.memory_space<hbm>> -> memref<50x128xf32, #tpu.memory_space<hbm>>
      %dma_start3A_321 = arith.constant 0 : i32
      %dma_start3A_322 = arith.constant 0 : i32
      %dma_start3A_323 = tpu.memref_slice %arg4[%add3A_311, %dma_start3A_321, %dma_start3A_322] : memref<4096x50x128xf32, #tpu.memory_space<hbm>> -> memref<1x50x128xf32, #tpu.memory_space<hbm>>
      %dma_start3A_324 = tpu.memref_squeeze %dma_start3A_323 : memref<1x50x128xf32, #tpu.memory_space<hbm>> -> memref<50x128xf32, #tpu.memory_space<hbm>>
      %dma_start3A_325 = arith.constant 0 : i32
      %dma_start3A_326 = arith.constant 0 : i32
      %dma_start3A_327 = tpu.memref_slice %arg6[%dma_start3A_312, %dma_start3A_325, %dma_start3A_326] : memref<8x50x128xf32, #tpu.memory_space<vmem>> -> memref<1x50x128xf32, #tpu.memory_space<vmem>>
      %dma_start3A_328 = tpu.memref_squeeze %dma_start3A_327 : memref<1x50x128xf32, #tpu.memory_space<vmem>> -> memref<50x128xf32, #tpu.memory_space<vmem>>
      tpu.enqueue_dma source(%dma_start3A_328 : memref<50x128xf32, #tpu.memory_space<vmem>>) target(%dma_start3A_324 : memref<50x128xf32, #tpu.memory_space<hbm>>) target_semaphore(%arg21 : memref<!tpu.dma_semaphore, #tpu.memory_space<semaphore_mem>>)
      %dma_wait3A_329 = arith.constant 7 : i32
      %dma_wait3A_330 = arith.constant 7 : i32
      %dma_wait3A_331 = arith.constant 0 : i32
      %dma_wait3A_332 = arith.constant 0 : i32
      %dma_wait3A_333 = tpu.memref_slice %arg6[%dma_wait3A_330, %dma_wait3A_331, %dma_wait3A_332] : memref<8x50x128xf32, #tpu.memory_space<vmem>> -> memref<1x50x128xf32, #tpu.memory_space<vmem>>
      %dma_wait3A_334 = tpu.memref_squeeze %dma_wait3A_333 : memref<1x50x128xf32, #tpu.memory_space<vmem>> -> memref<50x128xf32, #tpu.memory_space<vmem>>
      %dma_wait3A_335 = arith.constant 0 : i32
      %dma_wait3A_336 = tpu.memref_slice %arg5[%dma_wait3A_329, %dma_wait3A_335] : memref<128x50xi32, #tpu.memory_space<vmem>> -> memref<1x50xi32, #tpu.memory_space<vmem>>
      %dma_wait3A_337 = tpu.memref_squeeze %dma_wait3A_336 : memref<1x50xi32, #tpu.memory_space<vmem>> -> memref<50xi32, #tpu.memory_space<vmem>>
      %dma_wait3A_338 = arith.constant 0 : i32
      %dma_wait3A_339 = arith.constant 0 : i32
      %dma_wait3A_340 = tpu.memref_slice %arg3[%dma_wait3A_338, %dma_wait3A_339] : memref<100000x128xf32, #tpu.memory_space<hbm>> -> memref<100000x128xf32, #tpu.memory_space<hbm>>
      tpu.wait_indirect_dma semaphore(%arg14 : memref<!tpu.dma_semaphore, #tpu.memory_space<semaphore_mem>>) src(%dma_wait3A_340 : memref<100000x128xf32, #tpu.memory_space<hbm>>) dst(%dma_wait3A_334 : memref<50x128xf32, #tpu.memory_space<vmem>>)
      %add3A_341 = arith.addi %mul3A_2, %mul3A_105 : i32
      %add3A_342 = arith.constant 7 : i32
      %add3A_343 = arith.addi %add3A_341, %add3A_342 : i32
      %dma_start3A_344 = arith.constant 7 : i32
      %dma_start3A_345 = arith.constant 0 : i32
      %dma_start3A_346 = arith.constant 0 : i32
      %dma_start3A_347 = tpu.memref_slice %arg6[%dma_start3A_344, %dma_start3A_345, %dma_start3A_346] : memref<8x50x128xf32, #tpu.memory_space<vmem>> -> memref<1x50x128xf32, #tpu.memory_space<vmem>>
      %dma_start3A_348 = tpu.memref_squeeze %dma_start3A_347 : memref<1x50x128xf32, #tpu.memory_space<vmem>> -> memref<50x128xf32, #tpu.memory_space<vmem>>
      %dma_start3A_349 = arith.constant 0 : i32
      %dma_start3A_350 = arith.constant 0 : i32
      %dma_start3A_351 = tpu.memref_slice %arg4[%add3A_343, %dma_start3A_349, %dma_start3A_350] : memref<4096x50x128xf32, #tpu.memory_space<hbm>> -> memref<1x50x128xf32, #tpu.memory_space<hbm>>
      %dma_start3A_352 = tpu.memref_squeeze %dma_start3A_351 : memref<1x50x128xf32, #tpu.memory_space<hbm>> -> memref<50x128xf32, #tpu.memory_space<hbm>>
      %dma_start3A_353 = arith.constant 0 : i32
      %dma_start3A_354 = arith.constant 0 : i32
      %dma_start3A_355 = tpu.memref_slice %arg4[%add3A_343, %dma_start3A_353, %dma_start3A_354] : memref<4096x50x128xf32, #tpu.memory_space<hbm>> -> memref<1x50x128xf32, #tpu.memory_space<hbm>>
      %dma_start3A_356 = tpu.memref_squeeze %dma_start3A_355 : memref<1x50x128xf32, #tpu.memory_space<hbm>> -> memref<50x128xf32, #tpu.memory_space<hbm>>
      %dma_start3A_357 = arith.constant 0 : i32
      %dma_start3A_358 = arith.constant 0 : i32
      %dma_start3A_359 = tpu.memref_slice %arg6[%dma_start3A_344, %dma_start3A_357, %dma_start3A_358] : memref<8x50x128xf32, #tpu.memory_space<vmem>> -> memref<1x50x128xf32, #tpu.memory_space<vmem>>
      %dma_start3A_360 = tpu.memref_squeeze %dma_start3A_359 : memref<1x50x128xf32, #tpu.memory_space<vmem>> -> memref<50x128xf32, #tpu.memory_space<vmem>>
      tpu.enqueue_dma source(%dma_start3A_360 : memref<50x128xf32, #tpu.memory_space<vmem>>) target(%dma_start3A_356 : memref<50x128xf32, #tpu.memory_space<hbm>>) target_semaphore(%arg22 : memref<!tpu.dma_semaphore, #tpu.memory_space<semaphore_mem>>)
      %add3A_361 = arith.addi %mul3A_2, %mul3A_105 : i32
      %add3A_362 = arith.constant 0 : i32
      %add3A_363 = arith.addi %add3A_361, %add3A_362 : i32
      %dma_wait3A_364 = arith.constant 0 : i32
      %dma_wait3A_365 = arith.constant 0 : i32
      %dma_wait3A_366 = arith.constant 0 : i32
      %dma_wait3A_367 = tpu.memref_slice %arg6[%dma_wait3A_364, %dma_wait3A_365, %dma_wait3A_366] : memref<8x50x128xf32, #tpu.memory_space<vmem>> -> memref<1x50x128xf32, #tpu.memory_space<vmem>>
      %dma_wait3A_368 = tpu.memref_squeeze %dma_wait3A_367 : memref<1x50x128xf32, #tpu.memory_space<vmem>> -> memref<50x128xf32, #tpu.memory_space<vmem>>
      %dma_wait3A_369 = arith.constant 0 : i32
      %dma_wait3A_370 = arith.constant 0 : i32
      %dma_wait3A_371 = tpu.memref_slice %arg4[%add3A_363, %dma_wait3A_369, %dma_wait3A_370] : memref<4096x50x128xf32, #tpu.memory_space<hbm>> -> memref<1x50x128xf32, #tpu.memory_space<hbm>>
      %dma_wait3A_372 = tpu.memref_squeeze %dma_wait3A_371 : memref<1x50x128xf32, #tpu.memory_space<hbm>> -> memref<50x128xf32, #tpu.memory_space<hbm>>
      %dma_wait3A_373 = arith.constant 0 : i32
      %dma_wait3A_374 = arith.constant 0 : i32
      %dma_wait3A_375 = tpu.memref_slice %arg4[%add3A_363, %dma_wait3A_373, %dma_wait3A_374] : memref<4096x50x128xf32, #tpu.memory_space<hbm>> -> memref<1x50x128xf32, #tpu.memory_space<hbm>>
      %dma_wait3A_376 = tpu.memref_squeeze %dma_wait3A_375 : memref<1x50x128xf32, #tpu.memory_space<hbm>> -> memref<50x128xf32, #tpu.memory_space<hbm>>
      %dma_wait3A_377 = arith.constant 0 : i32
      %dma_wait3A_378 = arith.constant 0 : i32
      %dma_wait3A_379 = tpu.memref_slice %arg6[%dma_wait3A_364, %dma_wait3A_377, %dma_wait3A_378] : memref<8x50x128xf32, #tpu.memory_space<vmem>> -> memref<1x50x128xf32, #tpu.memory_space<vmem>>
      %dma_wait3A_380 = tpu.memref_squeeze %dma_wait3A_379 : memref<1x50x128xf32, #tpu.memory_space<vmem>> -> memref<50x128xf32, #tpu.memory_space<vmem>>
      tpu.wait_dma2 semaphore(%arg15 : memref<!tpu.dma_semaphore, #tpu.memory_space<semaphore_mem>>) src(%dma_wait3A_380 : memref<50x128xf32, #tpu.memory_space<vmem>>) dst(%dma_wait3A_376 : memref<50x128xf32, #tpu.memory_space<hbm>>)
      %add3A_381 = arith.constant 1 : i32
      %add3A_382 = arith.addi %scan3A_103, %add3A_381 : i32
      %lt3A = arith.constant 16 : i32
      %lt3A_383 = arith.cmpi slt, %add3A_382, %lt3A : i32
      %convert_element_type3A = arith.extui %lt3A_383 : i1 to i32
      %cond3A = arith.constant 0 : i32
      %cond3A_384 = arith.cmpi ne, %convert_element_type3A, %cond3A : i32
      scf.if %cond3A_384 {
        %add3A_574 = arith.constant 0 : i32
        %add3A_575 = arith.addi %mul3A_105, %add3A_574 : i32
        %add3A_576 = arith.constant 8 : i32
        %add3A_577 = arith.addi %add3A_575, %add3A_576 : i32
        %dma_start3A_578 = arith.constant 0 : i32
        %dma_start3A_579 = arith.constant 0 : i32
        %dma_start3A_580 = arith.constant 0 : i32
        %dma_start3A_581 = tpu.memref_slice %arg6[%dma_start3A_578, %dma_start3A_579, %dma_start3A_580] : memref<8x50x128xf32, #tpu.memory_space<vmem>> -> memref<1x50x128xf32, #tpu.memory_space<vmem>>
        %dma_start3A_582 = tpu.memref_squeeze %dma_start3A_581 : memref<1x50x128xf32, #tpu.memory_space<vmem>> -> memref<50x128xf32, #tpu.memory_space<vmem>>
        %dma_start3A_583 = arith.constant 0 : i32
        %dma_start3A_584 = tpu.memref_slice %arg5[%add3A_577, %dma_start3A_583] : memref<128x50xi32, #tpu.memory_space<vmem>> -> memref<1x50xi32, #tpu.memory_space<vmem>>
        %dma_start3A_585 = tpu.memref_squeeze %dma_start3A_584 : memref<1x50xi32, #tpu.memory_space<vmem>> -> memref<50xi32, #tpu.memory_space<vmem>>
        %dma_start3A_586 = arith.constant 0 : i32
        %dma_start3A_587 = arith.constant 0 : i32
        %dma_start3A_588 = tpu.memref_slice %arg3[%dma_start3A_586, %dma_start3A_587] : memref<100000x128xf32, #tpu.memory_space<hbm>> -> memref<100000x128xf32, #tpu.memory_space<hbm>>
        tpu.enqueue_indirect_dma source(%dma_start3A_588 : memref<100000x128xf32, #tpu.memory_space<hbm>>) target(%dma_start3A_582 : memref<50x128xf32, #tpu.memory_space<vmem>>) offsets(%dma_start3A_585 : memref<50xi32, #tpu.memory_space<vmem>>) semaphore(%arg7 : memref<!tpu.dma_semaphore, #tpu.memory_space<semaphore_mem>>)
      } else {
      }
      %add3A_385 = arith.addi %mul3A_2, %mul3A_105 : i32
      %add3A_386 = arith.constant 1 : i32
      %add3A_387 = arith.addi %add3A_385, %add3A_386 : i32
      %dma_wait3A_388 = arith.constant 1 : i32
      %dma_wait3A_389 = arith.constant 0 : i32
      %dma_wait3A_390 = arith.constant 0 : i32
      %dma_wait3A_391 = tpu.memref_slice %arg6[%dma_wait3A_388, %dma_wait3A_389, %dma_wait3A_390] : memref<8x50x128xf32, #tpu.memory_space<vmem>> -> memref<1x50x128xf32, #tpu.memory_space<vmem>>
      %dma_wait3A_392 = tpu.memref_squeeze %dma_wait3A_391 : memref<1x50x128xf32, #tpu.memory_space<vmem>> -> memref<50x128xf32, #tpu.memory_space<vmem>>
      %dma_wait3A_393 = arith.constant 0 : i32
      %dma_wait3A_394 = arith.constant 0 : i32
      %dma_wait3A_395 = tpu.memref_slice %arg4[%add3A_387, %dma_wait3A_393, %dma_wait3A_394] : memref<4096x50x128xf32, #tpu.memory_space<hbm>> -> memref<1x50x128xf32, #tpu.memory_space<hbm>>
      %dma_wait3A_396 = tpu.memref_squeeze %dma_wait3A_395 : memref<1x50x128xf32, #tpu.memory_space<hbm>> -> memref<50x128xf32, #tpu.memory_space<hbm>>
      %dma_wait3A_397 = arith.constant 0 : i32
      %dma_wait3A_398 = arith.constant 0 : i32
      %dma_wait3A_399 = tpu.memref_slice %arg4[%add3A_387, %dma_wait3A_397, %dma_wait3A_398] : memref<4096x50x128xf32, #tpu.memory_space<hbm>> -> memref<1x50x128xf32, #tpu.memory_space<hbm>>
      %dma_wait3A_400 = tpu.memref_squeeze %dma_wait3A_399 : memref<1x50x128xf32, #tpu.memory_space<hbm>> -> memref<50x128xf32, #tpu.memory_space<hbm>>
      %dma_wait3A_401 = arith.constant 0 : i32
      %dma_wait3A_402 = arith.constant 0 : i32
      %dma_wait3A_403 = tpu.memref_slice %arg6[%dma_wait3A_388, %dma_wait3A_401, %dma_wait3A_402] : memref<8x50x128xf32, #tpu.memory_space<vmem>> -> memref<1x50x128xf32, #tpu.memory_space<vmem>>
      %dma_wait3A_404 = tpu.memref_squeeze %dma_wait3A_403 : memref<1x50x128xf32, #tpu.memory_space<vmem>> -> memref<50x128xf32, #tpu.memory_space<vmem>>
      tpu.wait_dma2 semaphore(%arg16 : memref<!tpu.dma_semaphore, #tpu.memory_space<semaphore_mem>>) src(%dma_wait3A_404 : memref<50x128xf32, #tpu.memory_space<vmem>>) dst(%dma_wait3A_400 : memref<50x128xf32, #tpu.memory_space<hbm>>)
      %add3A_405 = arith.constant 1 : i32
      %add3A_406 = arith.addi %scan3A_103, %add3A_405 : i32
      %lt3A_407 = arith.constant 16 : i32
      %lt3A_408 = arith.cmpi slt, %add3A_406, %lt3A_407 : i32
      %convert_element_type3A_409 = arith.extui %lt3A_408 : i1 to i32
      %cond3A_410 = arith.constant 0 : i32
      %cond3A_411 = arith.cmpi ne, %convert_element_type3A_409, %cond3A_410 : i32
      scf.if %cond3A_411 {
        %add3A_574 = arith.constant 1 : i32
        %add3A_575 = arith.addi %mul3A_105, %add3A_574 : i32
        %add3A_576 = arith.constant 8 : i32
        %add3A_577 = arith.addi %add3A_575, %add3A_576 : i32
        %dma_start3A_578 = arith.constant 1 : i32
        %dma_start3A_579 = arith.constant 0 : i32
        %dma_start3A_580 = arith.constant 0 : i32
        %dma_start3A_581 = tpu.memref_slice %arg6[%dma_start3A_578, %dma_start3A_579, %dma_start3A_580] : memref<8x50x128xf32, #tpu.memory_space<vmem>> -> memref<1x50x128xf32, #tpu.memory_space<vmem>>
        %dma_start3A_582 = tpu.memref_squeeze %dma_start3A_581 : memref<1x50x128xf32, #tpu.memory_space<vmem>> -> memref<50x128xf32, #tpu.memory_space<vmem>>
        %dma_start3A_583 = arith.constant 0 : i32
        %dma_start3A_584 = tpu.memref_slice %arg5[%add3A_577, %dma_start3A_583] : memref<128x50xi32, #tpu.memory_space<vmem>> -> memref<1x50xi32, #tpu.memory_space<vmem>>
        %dma_start3A_585 = tpu.memref_squeeze %dma_start3A_584 : memref<1x50xi32, #tpu.memory_space<vmem>> -> memref<50xi32, #tpu.memory_space<vmem>>
        %dma_start3A_586 = arith.constant 0 : i32
        %dma_start3A_587 = arith.constant 0 : i32
        %dma_start3A_588 = tpu.memref_slice %arg3[%dma_start3A_586, %dma_start3A_587] : memref<100000x128xf32, #tpu.memory_space<hbm>> -> memref<100000x128xf32, #tpu.memory_space<hbm>>
        tpu.enqueue_indirect_dma source(%dma_start3A_588 : memref<100000x128xf32, #tpu.memory_space<hbm>>) target(%dma_start3A_582 : memref<50x128xf32, #tpu.memory_space<vmem>>) offsets(%dma_start3A_585 : memref<50xi32, #tpu.memory_space<vmem>>) semaphore(%arg8 : memref<!tpu.dma_semaphore, #tpu.memory_space<semaphore_mem>>)
      } else {
      }
      %add3A_412 = arith.addi %mul3A_2, %mul3A_105 : i32
      %add3A_413 = arith.constant 2 : i32
      %add3A_414 = arith.addi %add3A_412, %add3A_413 : i32
      %dma_wait3A_415 = arith.constant 2 : i32
      %dma_wait3A_416 = arith.constant 0 : i32
      %dma_wait3A_417 = arith.constant 0 : i32
      %dma_wait3A_418 = tpu.memref_slice %arg6[%dma_wait3A_415, %dma_wait3A_416, %dma_wait3A_417] : memref<8x50x128xf32, #tpu.memory_space<vmem>> -> memref<1x50x128xf32, #tpu.memory_space<vmem>>
      %dma_wait3A_419 = tpu.memref_squeeze %dma_wait3A_418 : memref<1x50x128xf32, #tpu.memory_space<vmem>> -> memref<50x128xf32, #tpu.memory_space<vmem>>
      %dma_wait3A_420 = arith.constant 0 : i32
      %dma_wait3A_421 = arith.constant 0 : i32
      %dma_wait3A_422 = tpu.memref_slice %arg4[%add3A_414, %dma_wait3A_420, %dma_wait3A_421] : memref<4096x50x128xf32, #tpu.memory_space<hbm>> -> memref<1x50x128xf32, #tpu.memory_space<hbm>>
      %dma_wait3A_423 = tpu.memref_squeeze %dma_wait3A_422 : memref<1x50x128xf32, #tpu.memory_space<hbm>> -> memref<50x128xf32, #tpu.memory_space<hbm>>
      %dma_wait3A_424 = arith.constant 0 : i32
      %dma_wait3A_425 = arith.constant 0 : i32
      %dma_wait3A_426 = tpu.memref_slice %arg4[%add3A_414, %dma_wait3A_424, %dma_wait3A_425] : memref<4096x50x128xf32, #tpu.memory_space<hbm>> -> memref<1x50x128xf32, #tpu.memory_space<hbm>>
      %dma_wait3A_427 = tpu.memref_squeeze %dma_wait3A_426 : memref<1x50x128xf32, #tpu.memory_space<hbm>> -> memref<50x128xf32, #tpu.memory_space<hbm>>
      %dma_wait3A_428 = arith.constant 0 : i32
      %dma_wait3A_429 = arith.constant 0 : i32
      %dma_wait3A_430 = tpu.memref_slice %arg6[%dma_wait3A_415, %dma_wait3A_428, %dma_wait3A_429] : memref<8x50x128xf32, #tpu.memory_space<vmem>> -> memref<1x50x128xf32, #tpu.memory_space<vmem>>
      %dma_wait3A_431 = tpu.memref_squeeze %dma_wait3A_430 : memref<1x50x128xf32, #tpu.memory_space<vmem>> -> memref<50x128xf32, #tpu.memory_space<vmem>>
      tpu.wait_dma2 semaphore(%arg17 : memref<!tpu.dma_semaphore, #tpu.memory_space<semaphore_mem>>) src(%dma_wait3A_431 : memref<50x128xf32, #tpu.memory_space<vmem>>) dst(%dma_wait3A_427 : memref<50x128xf32, #tpu.memory_space<hbm>>)
      %add3A_432 = arith.constant 1 : i32
      %add3A_433 = arith.addi %scan3A_103, %add3A_432 : i32
      %lt3A_434 = arith.constant 16 : i32
      %lt3A_435 = arith.cmpi slt, %add3A_433, %lt3A_434 : i32
      %convert_element_type3A_436 = arith.extui %lt3A_435 : i1 to i32
      %cond3A_437 = arith.constant 0 : i32
      %cond3A_438 = arith.cmpi ne, %convert_element_type3A_436, %cond3A_437 : i32
      scf.if %cond3A_438 {
        %add3A_574 = arith.constant 2 : i32
        %add3A_575 = arith.addi %mul3A_105, %add3A_574 : i32
        %add3A_576 = arith.constant 8 : i32
        %add3A_577 = arith.addi %add3A_575, %add3A_576 : i32
        %dma_start3A_578 = arith.constant 2 : i32
        %dma_start3A_579 = arith.constant 0 : i32
        %dma_start3A_580 = arith.constant 0 : i32
        %dma_start3A_581 = tpu.memref_slice %arg6[%dma_start3A_578, %dma_start3A_579, %dma_start3A_580] : memref<8x50x128xf32, #tpu.memory_space<vmem>> -> memref<1x50x128xf32, #tpu.memory_space<vmem>>
        %dma_start3A_582 = tpu.memref_squeeze %dma_start3A_581 : memref<1x50x128xf32, #tpu.memory_space<vmem>> -> memref<50x128xf32, #tpu.memory_space<vmem>>
        %dma_start3A_583 = arith.constant 0 : i32
        %dma_start3A_584 = tpu.memref_slice %arg5[%add3A_577, %dma_start3A_583] : memref<128x50xi32, #tpu.memory_space<vmem>> -> memref<1x50xi32, #tpu.memory_space<vmem>>
        %dma_start3A_585 = tpu.memref_squeeze %dma_start3A_584 : memref<1x50xi32, #tpu.memory_space<vmem>> -> memref<50xi32, #tpu.memory_space<vmem>>
        %dma_start3A_586 = arith.constant 0 : i32
        %dma_start3A_587 = arith.constant 0 : i32
        %dma_start3A_588 = tpu.memref_slice %arg3[%dma_start3A_586, %dma_start3A_587] : memref<100000x128xf32, #tpu.memory_space<hbm>> -> memref<100000x128xf32, #tpu.memory_space<hbm>>
        tpu.enqueue_indirect_dma source(%dma_start3A_588 : memref<100000x128xf32, #tpu.memory_space<hbm>>) target(%dma_start3A_582 : memref<50x128xf32, #tpu.memory_space<vmem>>) offsets(%dma_start3A_585 : memref<50xi32, #tpu.memory_space<vmem>>) semaphore(%arg9 : memref<!tpu.dma_semaphore, #tpu.memory_space<semaphore_mem>>)
      } else {
      }
      %add3A_439 = arith.addi %mul3A_2, %mul3A_105 : i32
      %add3A_440 = arith.constant 3 : i32
      %add3A_441 = arith.addi %add3A_439, %add3A_440 : i32
      %dma_wait3A_442 = arith.constant 3 : i32
      %dma_wait3A_443 = arith.constant 0 : i32
      %dma_wait3A_444 = arith.constant 0 : i32
      %dma_wait3A_445 = tpu.memref_slice %arg6[%dma_wait3A_442, %dma_wait3A_443, %dma_wait3A_444] : memref<8x50x128xf32, #tpu.memory_space<vmem>> -> memref<1x50x128xf32, #tpu.memory_space<vmem>>
      %dma_wait3A_446 = tpu.memref_squeeze %dma_wait3A_445 : memref<1x50x128xf32, #tpu.memory_space<vmem>> -> memref<50x128xf32, #tpu.memory_space<vmem>>
      %dma_wait3A_447 = arith.constant 0 : i32
      %dma_wait3A_448 = arith.constant 0 : i32
      %dma_wait3A_449 = tpu.memref_slice %arg4[%add3A_441, %dma_wait3A_447, %dma_wait3A_448] : memref<4096x50x128xf32, #tpu.memory_space<hbm>> -> memref<1x50x128xf32, #tpu.memory_space<hbm>>
      %dma_wait3A_450 = tpu.memref_squeeze %dma_wait3A_449 : memref<1x50x128xf32, #tpu.memory_space<hbm>> -> memref<50x128xf32, #tpu.memory_space<hbm>>
      %dma_wait3A_451 = arith.constant 0 : i32
      %dma_wait3A_452 = arith.constant 0 : i32
      %dma_wait3A_453 = tpu.memref_slice %arg4[%add3A_441, %dma_wait3A_451, %dma_wait3A_452] : memref<4096x50x128xf32, #tpu.memory_space<hbm>> -> memref<1x50x128xf32, #tpu.memory_space<hbm>>
      %dma_wait3A_454 = tpu.memref_squeeze %dma_wait3A_453 : memref<1x50x128xf32, #tpu.memory_space<hbm>> -> memref<50x128xf32, #tpu.memory_space<hbm>>
      %dma_wait3A_455 = arith.constant 0 : i32
      %dma_wait3A_456 = arith.constant 0 : i32
      %dma_wait3A_457 = tpu.memref_slice %arg6[%dma_wait3A_442, %dma_wait3A_455, %dma_wait3A_456] : memref<8x50x128xf32, #tpu.memory_space<vmem>> -> memref<1x50x128xf32, #tpu.memory_space<vmem>>
      %dma_wait3A_458 = tpu.memref_squeeze %dma_wait3A_457 : memref<1x50x128xf32, #tpu.memory_space<vmem>> -> memref<50x128xf32, #tpu.memory_space<vmem>>
      tpu.wait_dma2 semaphore(%arg18 : memref<!tpu.dma_semaphore, #tpu.memory_space<semaphore_mem>>) src(%dma_wait3A_458 : memref<50x128xf32, #tpu.memory_space<vmem>>) dst(%dma_wait3A_454 : memref<50x128xf32, #tpu.memory_space<hbm>>)
      %add3A_459 = arith.constant 1 : i32
      %add3A_460 = arith.addi %scan3A_103, %add3A_459 : i32
      %lt3A_461 = arith.constant 16 : i32
      %lt3A_462 = arith.cmpi slt, %add3A_460, %lt3A_461 : i32
      %convert_element_type3A_463 = arith.extui %lt3A_462 : i1 to i32
      %cond3A_464 = arith.constant 0 : i32
      %cond3A_465 = arith.cmpi ne, %convert_element_type3A_463, %cond3A_464 : i32
      scf.if %cond3A_465 {
        %add3A_574 = arith.constant 3 : i32
        %add3A_575 = arith.addi %mul3A_105, %add3A_574 : i32
        %add3A_576 = arith.constant 8 : i32
        %add3A_577 = arith.addi %add3A_575, %add3A_576 : i32
        %dma_start3A_578 = arith.constant 3 : i32
        %dma_start3A_579 = arith.constant 0 : i32
        %dma_start3A_580 = arith.constant 0 : i32
        %dma_start3A_581 = tpu.memref_slice %arg6[%dma_start3A_578, %dma_start3A_579, %dma_start3A_580] : memref<8x50x128xf32, #tpu.memory_space<vmem>> -> memref<1x50x128xf32, #tpu.memory_space<vmem>>
        %dma_start3A_582 = tpu.memref_squeeze %dma_start3A_581 : memref<1x50x128xf32, #tpu.memory_space<vmem>> -> memref<50x128xf32, #tpu.memory_space<vmem>>
        %dma_start3A_583 = arith.constant 0 : i32
        %dma_start3A_584 = tpu.memref_slice %arg5[%add3A_577, %dma_start3A_583] : memref<128x50xi32, #tpu.memory_space<vmem>> -> memref<1x50xi32, #tpu.memory_space<vmem>>
        %dma_start3A_585 = tpu.memref_squeeze %dma_start3A_584 : memref<1x50xi32, #tpu.memory_space<vmem>> -> memref<50xi32, #tpu.memory_space<vmem>>
        %dma_start3A_586 = arith.constant 0 : i32
        %dma_start3A_587 = arith.constant 0 : i32
        %dma_start3A_588 = tpu.memref_slice %arg3[%dma_start3A_586, %dma_start3A_587] : memref<100000x128xf32, #tpu.memory_space<hbm>> -> memref<100000x128xf32, #tpu.memory_space<hbm>>
        tpu.enqueue_indirect_dma source(%dma_start3A_588 : memref<100000x128xf32, #tpu.memory_space<hbm>>) target(%dma_start3A_582 : memref<50x128xf32, #tpu.memory_space<vmem>>) offsets(%dma_start3A_585 : memref<50xi32, #tpu.memory_space<vmem>>) semaphore(%arg10 : memref<!tpu.dma_semaphore, #tpu.memory_space<semaphore_mem>>)
      } else {
      }
      %add3A_466 = arith.addi %mul3A_2, %mul3A_105 : i32
      %add3A_467 = arith.constant 4 : i32
      %add3A_468 = arith.addi %add3A_466, %add3A_467 : i32
      %dma_wait3A_469 = arith.constant 4 : i32
      %dma_wait3A_470 = arith.constant 0 : i32
      %dma_wait3A_471 = arith.constant 0 : i32
      %dma_wait3A_472 = tpu.memref_slice %arg6[%dma_wait3A_469, %dma_wait3A_470, %dma_wait3A_471] : memref<8x50x128xf32, #tpu.memory_space<vmem>> -> memref<1x50x128xf32, #tpu.memory_space<vmem>>
      %dma_wait3A_473 = tpu.memref_squeeze %dma_wait3A_472 : memref<1x50x128xf32, #tpu.memory_space<vmem>> -> memref<50x128xf32, #tpu.memory_space<vmem>>
      %dma_wait3A_474 = arith.constant 0 : i32
      %dma_wait3A_475 = arith.constant 0 : i32
      %dma_wait3A_476 = tpu.memref_slice %arg4[%add3A_468, %dma_wait3A_474, %dma_wait3A_475] : memref<4096x50x128xf32, #tpu.memory_space<hbm>> -> memref<1x50x128xf32, #tpu.memory_space<hbm>>
      %dma_wait3A_477 = tpu.memref_squeeze %dma_wait3A_476 : memref<1x50x128xf32, #tpu.memory_space<hbm>> -> memref<50x128xf32, #tpu.memory_space<hbm>>
      %dma_wait3A_478 = arith.constant 0 : i32
      %dma_wait3A_479 = arith.constant 0 : i32
      %dma_wait3A_480 = tpu.memref_slice %arg4[%add3A_468, %dma_wait3A_478, %dma_wait3A_479] : memref<4096x50x128xf32, #tpu.memory_space<hbm>> -> memref<1x50x128xf32, #tpu.memory_space<hbm>>
      %dma_wait3A_481 = tpu.memref_squeeze %dma_wait3A_480 : memref<1x50x128xf32, #tpu.memory_space<hbm>> -> memref<50x128xf32, #tpu.memory_space<hbm>>
      %dma_wait3A_482 = arith.constant 0 : i32
      %dma_wait3A_483 = arith.constant 0 : i32
      %dma_wait3A_484 = tpu.memref_slice %arg6[%dma_wait3A_469, %dma_wait3A_482, %dma_wait3A_483] : memref<8x50x128xf32, #tpu.memory_space<vmem>> -> memref<1x50x128xf32, #tpu.memory_space<vmem>>
      %dma_wait3A_485 = tpu.memref_squeeze %dma_wait3A_484 : memref<1x50x128xf32, #tpu.memory_space<vmem>> -> memref<50x128xf32, #tpu.memory_space<vmem>>
      tpu.wait_dma2 semaphore(%arg19 : memref<!tpu.dma_semaphore, #tpu.memory_space<semaphore_mem>>) src(%dma_wait3A_485 : memref<50x128xf32, #tpu.memory_space<vmem>>) dst(%dma_wait3A_481 : memref<50x128xf32, #tpu.memory_space<hbm>>)
      %add3A_486 = arith.constant 1 : i32
      %add3A_487 = arith.addi %scan3A_103, %add3A_486 : i32
      %lt3A_488 = arith.constant 16 : i32
      %lt3A_489 = arith.cmpi slt, %add3A_487, %lt3A_488 : i32
      %convert_element_type3A_490 = arith.extui %lt3A_489 : i1 to i32
      %cond3A_491 = arith.constant 0 : i32
      %cond3A_492 = arith.cmpi ne, %convert_element_type3A_490, %cond3A_491 : i32
      scf.if %cond3A_492 {
        %add3A_574 = arith.constant 4 : i32
        %add3A_575 = arith.addi %mul3A_105, %add3A_574 : i32
        %add3A_576 = arith.constant 8 : i32
        %add3A_577 = arith.addi %add3A_575, %add3A_576 : i32
        %dma_start3A_578 = arith.constant 4 : i32
        %dma_start3A_579 = arith.constant 0 : i32
        %dma_start3A_580 = arith.constant 0 : i32
        %dma_start3A_581 = tpu.memref_slice %arg6[%dma_start3A_578, %dma_start3A_579, %dma_start3A_580] : memref<8x50x128xf32, #tpu.memory_space<vmem>> -> memref<1x50x128xf32, #tpu.memory_space<vmem>>
        %dma_start3A_582 = tpu.memref_squeeze %dma_start3A_581 : memref<1x50x128xf32, #tpu.memory_space<vmem>> -> memref<50x128xf32, #tpu.memory_space<vmem>>
        %dma_start3A_583 = arith.constant 0 : i32
        %dma_start3A_584 = tpu.memref_slice %arg5[%add3A_577, %dma_start3A_583] : memref<128x50xi32, #tpu.memory_space<vmem>> -> memref<1x50xi32, #tpu.memory_space<vmem>>
        %dma_start3A_585 = tpu.memref_squeeze %dma_start3A_584 : memref<1x50xi32, #tpu.memory_space<vmem>> -> memref<50xi32, #tpu.memory_space<vmem>>
        %dma_start3A_586 = arith.constant 0 : i32
        %dma_start3A_587 = arith.constant 0 : i32
        %dma_start3A_588 = tpu.memref_slice %arg3[%dma_start3A_586, %dma_start3A_587] : memref<100000x128xf32, #tpu.memory_space<hbm>> -> memref<100000x128xf32, #tpu.memory_space<hbm>>
        tpu.enqueue_indirect_dma source(%dma_start3A_588 : memref<100000x128xf32, #tpu.memory_space<hbm>>) target(%dma_start3A_582 : memref<50x128xf32, #tpu.memory_space<vmem>>) offsets(%dma_start3A_585 : memref<50xi32, #tpu.memory_space<vmem>>) semaphore(%arg11 : memref<!tpu.dma_semaphore, #tpu.memory_space<semaphore_mem>>)
      } else {
      }
      %add3A_493 = arith.addi %mul3A_2, %mul3A_105 : i32
      %add3A_494 = arith.constant 5 : i32
      %add3A_495 = arith.addi %add3A_493, %add3A_494 : i32
      %dma_wait3A_496 = arith.constant 5 : i32
      %dma_wait3A_497 = arith.constant 0 : i32
      %dma_wait3A_498 = arith.constant 0 : i32
      %dma_wait3A_499 = tpu.memref_slice %arg6[%dma_wait3A_496, %dma_wait3A_497, %dma_wait3A_498] : memref<8x50x128xf32, #tpu.memory_space<vmem>> -> memref<1x50x128xf32, #tpu.memory_space<vmem>>
      %dma_wait3A_500 = tpu.memref_squeeze %dma_wait3A_499 : memref<1x50x128xf32, #tpu.memory_space<vmem>> -> memref<50x128xf32, #tpu.memory_space<vmem>>
      %dma_wait3A_501 = arith.constant 0 : i32
      %dma_wait3A_502 = arith.constant 0 : i32
      %dma_wait3A_503 = tpu.memref_slice %arg4[%add3A_495, %dma_wait3A_501, %dma_wait3A_502] : memref<4096x50x128xf32, #tpu.memory_space<hbm>> -> memref<1x50x128xf32, #tpu.memory_space<hbm>>
      %dma_wait3A_504 = tpu.memref_squeeze %dma_wait3A_503 : memref<1x50x128xf32, #tpu.memory_space<hbm>> -> memref<50x128xf32, #tpu.memory_space<hbm>>
      %dma_wait3A_505 = arith.constant 0 : i32
      %dma_wait3A_506 = arith.constant 0 : i32
      %dma_wait3A_507 = tpu.memref_slice %arg4[%add3A_495, %dma_wait3A_505, %dma_wait3A_506] : memref<4096x50x128xf32, #tpu.memory_space<hbm>> -> memref<1x50x128xf32, #tpu.memory_space<hbm>>
      %dma_wait3A_508 = tpu.memref_squeeze %dma_wait3A_507 : memref<1x50x128xf32, #tpu.memory_space<hbm>> -> memref<50x128xf32, #tpu.memory_space<hbm>>
      %dma_wait3A_509 = arith.constant 0 : i32
      %dma_wait3A_510 = arith.constant 0 : i32
      %dma_wait3A_511 = tpu.memref_slice %arg6[%dma_wait3A_496, %dma_wait3A_509, %dma_wait3A_510] : memref<8x50x128xf32, #tpu.memory_space<vmem>> -> memref<1x50x128xf32, #tpu.memory_space<vmem>>
      %dma_wait3A_512 = tpu.memref_squeeze %dma_wait3A_511 : memref<1x50x128xf32, #tpu.memory_space<vmem>> -> memref<50x128xf32, #tpu.memory_space<vmem>>
      tpu.wait_dma2 semaphore(%arg20 : memref<!tpu.dma_semaphore, #tpu.memory_space<semaphore_mem>>) src(%dma_wait3A_512 : memref<50x128xf32, #tpu.memory_space<vmem>>) dst(%dma_wait3A_508 : memref<50x128xf32, #tpu.memory_space<hbm>>)
      %add3A_513 = arith.constant 1 : i32
      %add3A_514 = arith.addi %scan3A_103, %add3A_513 : i32
      %lt3A_515 = arith.constant 16 : i32
      %lt3A_516 = arith.cmpi slt, %add3A_514, %lt3A_515 : i32
      %convert_element_type3A_517 = arith.extui %lt3A_516 : i1 to i32
      %cond3A_518 = arith.constant 0 : i32
      %cond3A_519 = arith.cmpi ne, %convert_element_type3A_517, %cond3A_518 : i32
      scf.if %cond3A_519 {
        %add3A_574 = arith.constant 5 : i32
        %add3A_575 = arith.addi %mul3A_105, %add3A_574 : i32
        %add3A_576 = arith.constant 8 : i32
        %add3A_577 = arith.addi %add3A_575, %add3A_576 : i32
        %dma_start3A_578 = arith.constant 5 : i32
        %dma_start3A_579 = arith.constant 0 : i32
        %dma_start3A_580 = arith.constant 0 : i32
        %dma_start3A_581 = tpu.memref_slice %arg6[%dma_start3A_578, %dma_start3A_579, %dma_start3A_580] : memref<8x50x128xf32, #tpu.memory_space<vmem>> -> memref<1x50x128xf32, #tpu.memory_space<vmem>>
        %dma_start3A_582 = tpu.memref_squeeze %dma_start3A_581 : memref<1x50x128xf32, #tpu.memory_space<vmem>> -> memref<50x128xf32, #tpu.memory_space<vmem>>
        %dma_start3A_583 = arith.constant 0 : i32
        %dma_start3A_584 = tpu.memref_slice %arg5[%add3A_577, %dma_start3A_583] : memref<128x50xi32, #tpu.memory_space<vmem>> -> memref<1x50xi32, #tpu.memory_space<vmem>>
        %dma_start3A_585 = tpu.memref_squeeze %dma_start3A_584 : memref<1x50xi32, #tpu.memory_space<vmem>> -> memref<50xi32, #tpu.memory_space<vmem>>
        %dma_start3A_586 = arith.constant 0 : i32
        %dma_start3A_587 = arith.constant 0 : i32
        %dma_start3A_588 = tpu.memref_slice %arg3[%dma_start3A_586, %dma_start3A_587] : memref<100000x128xf32, #tpu.memory_space<hbm>> -> memref<100000x128xf32, #tpu.memory_space<hbm>>
        tpu.enqueue_indirect_dma source(%dma_start3A_588 : memref<100000x128xf32, #tpu.memory_space<hbm>>) target(%dma_start3A_582 : memref<50x128xf32, #tpu.memory_space<vmem>>) offsets(%dma_start3A_585 : memref<50xi32, #tpu.memory_space<vmem>>) semaphore(%arg12 : memref<!tpu.dma_semaphore, #tpu.memory_space<semaphore_mem>>)
      } else {
      }
      %add3A_520 = arith.addi %mul3A_2, %mul3A_105 : i32
      %add3A_521 = arith.constant 6 : i32
      %add3A_522 = arith.addi %add3A_520, %add3A_521 : i32
      %dma_wait3A_523 = arith.constant 6 : i32
      %dma_wait3A_524 = arith.constant 0 : i32
      %dma_wait3A_525 = arith.constant 0 : i32
      %dma_wait3A_526 = tpu.memref_slice %arg6[%dma_wait3A_523, %dma_wait3A_524, %dma_wait3A_525] : memref<8x50x128xf32, #tpu.memory_space<vmem>> -> memref<1x50x128xf32, #tpu.memory_space<vmem>>
      %dma_wait3A_527 = tpu.memref_squeeze %dma_wait3A_526 : memref<1x50x128xf32, #tpu.memory_space<vmem>> -> memref<50x128xf32, #tpu.memory_space<vmem>>
      %dma_wait3A_528 = arith.constant 0 : i32
      %dma_wait3A_529 = arith.constant 0 : i32
      %dma_wait3A_530 = tpu.memref_slice %arg4[%add3A_522, %dma_wait3A_528, %dma_wait3A_529] : memref<4096x50x128xf32, #tpu.memory_space<hbm>> -> memref<1x50x128xf32, #tpu.memory_space<hbm>>
      %dma_wait3A_531 = tpu.memref_squeeze %dma_wait3A_530 : memref<1x50x128xf32, #tpu.memory_space<hbm>> -> memref<50x128xf32, #tpu.memory_space<hbm>>
      %dma_wait3A_532 = arith.constant 0 : i32
      %dma_wait3A_533 = arith.constant 0 : i32
      %dma_wait3A_534 = tpu.memref_slice %arg4[%add3A_522, %dma_wait3A_532, %dma_wait3A_533] : memref<4096x50x128xf32, #tpu.memory_space<hbm>> -> memref<1x50x128xf32, #tpu.memory_space<hbm>>
      %dma_wait3A_535 = tpu.memref_squeeze %dma_wait3A_534 : memref<1x50x128xf32, #tpu.memory_space<hbm>> -> memref<50x128xf32, #tpu.memory_space<hbm>>
      %dma_wait3A_536 = arith.constant 0 : i32
      %dma_wait3A_537 = arith.constant 0 : i32
      %dma_wait3A_538 = tpu.memref_slice %arg6[%dma_wait3A_523, %dma_wait3A_536, %dma_wait3A_537] : memref<8x50x128xf32, #tpu.memory_space<vmem>> -> memref<1x50x128xf32, #tpu.memory_space<vmem>>
      %dma_wait3A_539 = tpu.memref_squeeze %dma_wait3A_538 : memref<1x50x128xf32, #tpu.memory_space<vmem>> -> memref<50x128xf32, #tpu.memory_space<vmem>>
      tpu.wait_dma2 semaphore(%arg21 : memref<!tpu.dma_semaphore, #tpu.memory_space<semaphore_mem>>) src(%dma_wait3A_539 : memref<50x128xf32, #tpu.memory_space<vmem>>) dst(%dma_wait3A_535 : memref<50x128xf32, #tpu.memory_space<hbm>>)
      %add3A_540 = arith.constant 1 : i32
      %add3A_541 = arith.addi %scan3A_103, %add3A_540 : i32
      %lt3A_542 = arith.constant 16 : i32
      %lt3A_543 = arith.cmpi slt, %add3A_541, %lt3A_542 : i32
      %convert_element_type3A_544 = arith.extui %lt3A_543 : i1 to i32
      %cond3A_545 = arith.constant 0 : i32
      %cond3A_546 = arith.cmpi ne, %convert_element_type3A_544, %cond3A_545 : i32
      scf.if %cond3A_546 {
        %add3A_574 = arith.constant 6 : i32
        %add3A_575 = arith.addi %mul3A_105, %add3A_574 : i32
        %add3A_576 = arith.constant 8 : i32
        %add3A_577 = arith.addi %add3A_575, %add3A_576 : i32
        %dma_start3A_578 = arith.constant 6 : i32
        %dma_start3A_579 = arith.constant 0 : i32
        %dma_start3A_580 = arith.constant 0 : i32
        %dma_start3A_581 = tpu.memref_slice %arg6[%dma_start3A_578, %dma_start3A_579, %dma_start3A_580] : memref<8x50x128xf32, #tpu.memory_space<vmem>> -> memref<1x50x128xf32, #tpu.memory_space<vmem>>
        %dma_start3A_582 = tpu.memref_squeeze %dma_start3A_581 : memref<1x50x128xf32, #tpu.memory_space<vmem>> -> memref<50x128xf32, #tpu.memory_space<vmem>>
        %dma_start3A_583 = arith.constant 0 : i32
        %dma_start3A_584 = tpu.memref_slice %arg5[%add3A_577, %dma_start3A_583] : memref<128x50xi32, #tpu.memory_space<vmem>> -> memref<1x50xi32, #tpu.memory_space<vmem>>
        %dma_start3A_585 = tpu.memref_squeeze %dma_start3A_584 : memref<1x50xi32, #tpu.memory_space<vmem>> -> memref<50xi32, #tpu.memory_space<vmem>>
        %dma_start3A_586 = arith.constant 0 : i32
        %dma_start3A_587 = arith.constant 0 : i32
        %dma_start3A_588 = tpu.memref_slice %arg3[%dma_start3A_586, %dma_start3A_587] : memref<100000x128xf32, #tpu.memory_space<hbm>> -> memref<100000x128xf32, #tpu.memory_space<hbm>>
        tpu.enqueue_indirect_dma source(%dma_start3A_588 : memref<100000x128xf32, #tpu.memory_space<hbm>>) target(%dma_start3A_582 : memref<50x128xf32, #tpu.memory_space<vmem>>) offsets(%dma_start3A_585 : memref<50xi32, #tpu.memory_space<vmem>>) semaphore(%arg13 : memref<!tpu.dma_semaphore, #tpu.memory_space<semaphore_mem>>)
      } else {
      }
      %add3A_547 = arith.addi %mul3A_2, %mul3A_105 : i32
      %add3A_548 = arith.constant 7 : i32
      %add3A_549 = arith.addi %add3A_547, %add3A_548 : i32
      %dma_wait3A_550 = arith.constant 7 : i32
      %dma_wait3A_551 = arith.constant 0 : i32
      %dma_wait3A_552 = arith.constant 0 : i32
      %dma_wait3A_553 = tpu.memref_slice %arg6[%dma_wait3A_550, %dma_wait3A_551, %dma_wait3A_552] : memref<8x50x128xf32, #tpu.memory_space<vmem>> -> memref<1x50x128xf32, #tpu.memory_space<vmem>>
      %dma_wait3A_554 = tpu.memref_squeeze %dma_wait3A_553 : memref<1x50x128xf32, #tpu.memory_space<vmem>> -> memref<50x128xf32, #tpu.memory_space<vmem>>
      %dma_wait3A_555 = arith.constant 0 : i32
      %dma_wait3A_556 = arith.constant 0 : i32
      %dma_wait3A_557 = tpu.memref_slice %arg4[%add3A_549, %dma_wait3A_555, %dma_wait3A_556] : memref<4096x50x128xf32, #tpu.memory_space<hbm>> -> memref<1x50x128xf32, #tpu.memory_space<hbm>>
      %dma_wait3A_558 = tpu.memref_squeeze %dma_wait3A_557 : memref<1x50x128xf32, #tpu.memory_space<hbm>> -> memref<50x128xf32, #tpu.memory_space<hbm>>
      %dma_wait3A_559 = arith.constant 0 : i32
      %dma_wait3A_560 = arith.constant 0 : i32
      %dma_wait3A_561 = tpu.memref_slice %arg4[%add3A_549, %dma_wait3A_559, %dma_wait3A_560] : memref<4096x50x128xf32, #tpu.memory_space<hbm>> -> memref<1x50x128xf32, #tpu.memory_space<hbm>>
      %dma_wait3A_562 = tpu.memref_squeeze %dma_wait3A_561 : memref<1x50x128xf32, #tpu.memory_space<hbm>> -> memref<50x128xf32, #tpu.memory_space<hbm>>
      %dma_wait3A_563 = arith.constant 0 : i32
      %dma_wait3A_564 = arith.constant 0 : i32
      %dma_wait3A_565 = tpu.memref_slice %arg6[%dma_wait3A_550, %dma_wait3A_563, %dma_wait3A_564] : memref<8x50x128xf32, #tpu.memory_space<vmem>> -> memref<1x50x128xf32, #tpu.memory_space<vmem>>
      %dma_wait3A_566 = tpu.memref_squeeze %dma_wait3A_565 : memref<1x50x128xf32, #tpu.memory_space<vmem>> -> memref<50x128xf32, #tpu.memory_space<vmem>>
      tpu.wait_dma2 semaphore(%arg22 : memref<!tpu.dma_semaphore, #tpu.memory_space<semaphore_mem>>) src(%dma_wait3A_566 : memref<50x128xf32, #tpu.memory_space<vmem>>) dst(%dma_wait3A_562 : memref<50x128xf32, #tpu.memory_space<hbm>>)
      %add3A_567 = arith.constant 1 : i32
      %add3A_568 = arith.addi %scan3A_103, %add3A_567 : i32
      %lt3A_569 = arith.constant 16 : i32
      %lt3A_570 = arith.cmpi slt, %add3A_568, %lt3A_569 : i32
      %convert_element_type3A_571 = arith.extui %lt3A_570 : i1 to i32
      %cond3A_572 = arith.constant 0 : i32
      %cond3A_573 = arith.cmpi ne, %convert_element_type3A_571, %cond3A_572 : i32
      scf.if %cond3A_573 {
        %add3A_574 = arith.constant 7 : i32
        %add3A_575 = arith.addi %mul3A_105, %add3A_574 : i32
        %add3A_576 = arith.constant 8 : i32
        %add3A_577 = arith.addi %add3A_575, %add3A_576 : i32
        %dma_start3A_578 = arith.constant 7 : i32
        %dma_start3A_579 = arith.constant 0 : i32
        %dma_start3A_580 = arith.constant 0 : i32
        %dma_start3A_581 = tpu.memref_slice %arg6[%dma_start3A_578, %dma_start3A_579, %dma_start3A_580] : memref<8x50x128xf32, #tpu.memory_space<vmem>> -> memref<1x50x128xf32, #tpu.memory_space<vmem>>
        %dma_start3A_582 = tpu.memref_squeeze %dma_start3A_581 : memref<1x50x128xf32, #tpu.memory_space<vmem>> -> memref<50x128xf32, #tpu.memory_space<vmem>>
        %dma_start3A_583 = arith.constant 0 : i32
        %dma_start3A_584 = tpu.memref_slice %arg5[%add3A_577, %dma_start3A_583] : memref<128x50xi32, #tpu.memory_space<vmem>> -> memref<1x50xi32, #tpu.memory_space<vmem>>
        %dma_start3A_585 = tpu.memref_squeeze %dma_start3A_584 : memref<1x50xi32, #tpu.memory_space<vmem>> -> memref<50xi32, #tpu.memory_space<vmem>>
        %dma_start3A_586 = arith.constant 0 : i32
        %dma_start3A_587 = arith.constant 0 : i32
        %dma_start3A_588 = tpu.memref_slice %arg3[%dma_start3A_586, %dma_start3A_587] : memref<100000x128xf32, #tpu.memory_space<hbm>> -> memref<100000x128xf32, #tpu.memory_space<hbm>>
        tpu.enqueue_indirect_dma source(%dma_start3A_588 : memref<100000x128xf32, #tpu.memory_space<hbm>>) target(%dma_start3A_582 : memref<50x128xf32, #tpu.memory_space<vmem>>) offsets(%dma_start3A_585 : memref<50xi32, #tpu.memory_space<vmem>>) semaphore(%arg14 : memref<!tpu.dma_semaphore, #tpu.memory_space<semaphore_mem>>)
      } else {
      }
    }
    %scan3A_102 = arith.constant 16 : i32
    return
  }
}

</mosaic_0001>

<sc_bundles>
// kernel: _sc_gather.3.cloned.1.call-start
scs
__scs_entry_jumppad:
0x0: {  	(pc) =	sbr.rel $0x88, $3  }
0x1: {  	(tag) =	ssettag $0x0;
	lr =	simm.s32 $0x1  }
0x2: {  	[smem:$0x3F9F] =	sst lr;
	_ =	strace $0xD0000000  }
0x3: {  	_ = 	snop  }
0x4: {  	_ = 	snop  }
0x5: {  	_ = 	snop  }
0x6: {  	_ = 	snop  }
0x7: {  	_ = 	snop  }
__scs_overlays_trampoline_lowered:
0x8: {  	[smem:$0x3FAE] =	sst s0  }
0x9: {  	[smem:$0x3FAF] =	sst s1  }
0xa: {  	[smem:$0x3FB0] =	sst s2  }
0xb: {  	[smem:$0x3FB1] =	sst s3  }
0xc: {  	[smem:$0x3FB2] =	sst s4  }
0xd: {  	[smem:$0x3FB3] =	sst s5  }
0xe: {  	[smem:$0x3FB4] =	sst s6  }
0xf: {  	[smem:$0x3FB5] =	sst s7  }
0x10: {  	[smem:$0x3FB6] =	sst s8  }
0x11: {  	[smem:$0x3FB7] =	sst s9;
	s0 =	simm.s32 @!p0 $0x0  }
0x12: {  	s1 =	sld [smem:$0x3F9D];
	s0 =	simm.s32 @p0 $0x1  }
0x13: {  	[smem:$0x3FB8] =	sst s0;
	s0 =	simm.s32 @!p1 $0x0  }
0x14: {  	s2 =	sld [smem:$0x3F9C];
	s0 =	simm.s32 @p1 $0x1  }
0x15: {  	[smem:$0x3FB9] =	sst s0;
	s0 =	simm.s32 @!p2 $0x0  }
0x16: {  	s3 =	sld [smem:$0x3FDB];
	s0 =	simm.s32 @p2 $0x1  }
0x17: {  	s4 =	simm.s32 $0x1BF5;
	[smem:$0x3FBB] =	sst s0  }
0x18: {  	s0 =	sld [smem:$0x3F9E];
	_ =	swait.ge [sflag:s4], $0x0  }
0x19: {  	s7 =	sld [smem:$0x3F9F]  }
0x1a: {  	s8 =	sadd.s32 $0xFFFFE003, lr  }
0x1b: {  	s9 =	sadd.s32 $0xFFFFFEF7, lr;
	s5 =	simm.s32 $0xFFFFFFFF;
	p2 =	slt.u32 s8, $0xFFFFF086  }
0x1c: {  	p1 =	slt.u32 s9, $0xF7A;
	s5 =	simm.s32 @!p2 $0x0  }
0x1d: {  	s5 =	simm.s32 @p1 $0x1;
	p0 =	seq.s32 s7, s2  }
0x1e: {  	s7 =	smul.u32 @!p0 $0xF7A, s2;
	p2 =	seq.s32 @!p0 s5, $0x0  }
0x1f: {  	s9 =	smul.u32 $0xF7A, s1;
	s8 =	simm.s32 @!p0 $0x1BF5;
	p2 =	por !p2, p0  }
0x20: {  	[sflag:s8] =	ssyncset.s32 @!p0 $0xFFFFF086;
	s6 =	sadd.s32 @!p0 s3, s7;
	s7 =	simm.s32 @!p0 $0x108  }
0x21: {  	s3 =	sadd.s32 s3, s9;
	s6 =	sadd.s32 @!p0 $0x88, s6;
	s7 =	simm.s32 @p2 $0x1082  }
0x22: {  	[simem:s7], [sflag:s8] =	dma.local @!p0 [hbm:s6], $0xF7A  }
0x23: {  	s9 =	sor.u32 $0xD0000000, s2;
	s6 =	simm.s32 $0x108;
	_ =	swait.ge @!p0 [sflag:s8], $0x0  }
0x24: {  	s3 =	sadd.s32 $0x88, s3;
	s6 =	simm.s32 @!p1 $0x1082;
	[sflag:s4] =	ssyncset.s32 $0xFFFFF086  }
0x25: {  	[simem:s6], [sflag:s4] =	dma.local [hbm:s3], $0xF7A  }
0x26: {  	[smem:$0x3F9F] =	sst s1;
	(tag) =	ssettag s2;
	_ =	strace s9  }
0x27: {  	s1 =	sld [smem:$0x3FAF]  }
0x28: {  	s2 =	sld [smem:$0x3FB0]  }
0x29: {  	s4 =	sld [smem:$0x3FB2]  }
0x2a: {  	p0 =	seq.s32 s5, $0x0;
	s5 =	sld [smem:$0x3FB3]  }
0x2b: {  	s6 =	sld [smem:$0x3FB4]  }
0x2c: {  	s7 =	sld [smem:$0x3FB5]  }
0x2d: {  	s3 =	simm.s32 $0x108;
	s8 =	sld [smem:$0x3FB6]  }
0x2e: {  	s3 =	simm.s32 @!p0 $0x1082;
	s9 =	sld [smem:$0x3FB7]  }
0x2f: {  	lr =	sadd.s32 s0, s3;
	s0 =	sld [smem:$0x3FAE]  }
0x30: {  	s3 =	sld [smem:$0x3FB1]  }
0x31: {  	[smem:$0x3FBA] =	sst s10  }
0x32: {  	s10 =	sld [smem:$0x3FB8];
	_ =	sdelay $0x3  }
0x33: {  	p0 =	seq.s32 s10, $0x1;
	s10 =	sld [smem:$0x3FBA];
	_ =	sdelay $0x3  }
0x34: {  	[smem:$0x3FBA] =	sst s10  }
0x35: {  	s10 =	sld [smem:$0x3FB9];
	_ =	sdelay $0x3  }
0x36: {  	p1 =	seq.s32 s10, $0x1;
	s10 =	sld [smem:$0x3FBA];
	_ =	sdelay $0x3  }
0x37: {  	[smem:$0x3FBA] =	sst s10  }
0x38: {  	s10 =	sld [smem:$0x3FBB]  }
0x39: {  	_ = 	snop;
	(pc) =	sbr.ind lr, $3  }
0x3a: {  	_ = 	snop  }
0x3b: {  	_ = 	snop  }
0x3c: {  	p2 =	seq.s32 s10, $0x1;
	s10 =	sld [smem:$0x3FBA]  }
0x3d: {  	_ =	shalt  }
0x3e: {  	_ =	shalt  }
0x3f: {  	_ =	shalt  }
0x40: {  	_ =	shalt  }
0x41: {  	_ =	shalt  }
0x42: {  	_ =	shalt  }
0x43: {  	_ =	shalt  }
0x44: {  	_ =	shalt  }
0x45: {  	_ =	shalt  }
0x46: {  	_ =	shalt  }
0x47: {  	_ =	shalt  }
0x48: {  	_ =	shalt  }
0x49: {  	_ =	shalt  }
0x4a: {  	_ =	shalt  }
0x4b: {  	_ =	shalt  }
0x4c: {  	_ =	shalt  }
0x4d: {  	_ =	shalt  }
0x4e: {  	_ =	shalt  }
0x4f: {  	_ =	shalt  }
0x50: {  	_ =	shalt  }
0x51: {  	_ =	shalt  }
0x52: {  	_ =	shalt  }
0x53: {  	_ =	shalt  }
0x54: {  	_ =	shalt  }
0x55: {  	_ =	shalt  }
0x56: {  	_ =	shalt  }
0x57: {  	_ =	shalt  }
0x58: {  	_ =	shalt  }
0x59: {  	_ =	shalt  }
0x5a: {  	_ =	shalt  }
0x5b: {  	_ =	shalt  }
0x5c: {  	_ =	shalt  }
0x5d: {  	_ =	shalt  }
0x5e: {  	_ =	shalt  }
0x5f: {  	_ =	shalt  }
0x60: {  	_ =	shalt  }
0x61: {  	_ =	shalt  }
0x62: {  	_ =	shalt  }
0x63: {  	_ =	shalt  }
0x64: {  	_ =	shalt  }
0x65: {  	_ =	shalt  }
0x66: {  	_ =	shalt  }
0x67: {  	_ =	shalt  }
0x68: {  	_ =	shalt  }
0x69: {  	_ =	shalt  }
0x6a: {  	_ =	shalt  }
0x6b: {  	_ =	shalt  }
0x6c: {  	_ =	shalt  }
0x6d: {  	_ =	shalt  }
0x6e: {  	_ =	shalt  }
0x6f: {  	_ =	shalt  }
0x70: {  	_ =	shalt  }
0x71: {  	_ =	shalt  }
0x72: {  	_ =	shalt  }
0x73: {  	_ =	shalt  }
0x74: {  	_ =	shalt  }
0x75: {  	_ =	shalt  }
0x76: {  	_ =	shalt  }
0x77: {  	_ =	shalt  }
0x78: {  	_ =	shalt  }
0x79: {  	_ =	shalt  }
0x7a: {  	_ =	shalt  }
0x7b: {  	_ =	shalt  }
0x7c: {  	_ =	shalt  }
0x7d: {  	_ =	shalt  }
0x7e: {  	_ =	shalt  }
0x7f: {  	_ =	shalt  }
0x80: {  	_ =	shalt  }
0x81: {  	_ =	shalt  }
0x82: {  	_ =	shalt  }
0x83: {  	_ =	shalt  }
0x84: {  	_ =	shalt  }
0x85: {  	_ =	shalt  }
0x86: {  	_ =	shalt  }
0x87: {  	_ =	shalt  }
.Lfunc_end0:
.L_simem_size_0:
called_computation_lowered:
.L_overlay_start_0:
0x88: {  	s2 =	sld [smem:$0x3FD9]  }
0x89: {  	s3 =	sld [smem:$0x3FFE];
	_ =	sdelay $0x1  }
0x8a: {  	s1 =	srdreg.scid  }
0x8b: {  	s0 =	sand.u32 $0x1, s1  }
0x8c: {  	s17 =	sshll.u32 s0, $0xA;
	s2 =	sadd.s32 s3, s2  }
0x8d: {  	s2 =	sadd.s32 s2, s17  }
0x8e: {  	[smem:$0x3FC6] =	sst s2  }
0x8f: {  	_ = 	snop  }
0x90: {  	s2 =	sld [smem:$0x3FC8]  }
0x91: {  	s18 =	sld [smem:$0x3FD0];
	(tm) =	ssettm $0x1  }
0x92: {  	s4 =	sld [smem:$0x3FFB];
	_ =	sdelay $0x3  }
0x93: {  	_ =	strace s4  }
0x94: {  	s4 =	sld [smem:$0x3FFC];
	_ =	sdelay $0x3  }
0x95: {  	_ =	strace s4  }
0x96: {  	s4 =	sld [smem:$0x3FFD];
	_ =	sdelay $0x3  }
0x97: {  	_ =	strace s4  }
0x98: {  	_ =	strace $0x8FFFFFFF  }
0x99: {  	s19 =	sld [smem:$0x3FDB];
	_ =	sdelay $0x1  }
0x9a: {  	s5 =	simm.s32 $_scs_section_size  }
0x9b: {  	s6 =	simm.s32 $_size__tile_overlayer_lowered;
	s7 =	simm.s32 $_tile_overlayer_lowered  }
0x9c: {  	s22 =	simm.s32 $0x1BFF;
	s21 =	sshll.u32 s7, $0x1;
	s4 =	sadd.s32 s5, s19  }
0x9d: {  	s8 =	simm.s32 $0x0;
	s20 =	sshll.u32 s6, $0x1;
	s6 =	sadd.s32 s21, s4  }
0x9e: {  	[timem:s8], [sflag:s22] =	dma.local [hbm:s6], s20  }
0x9f: {  	_ =	swait.ge [sflag:s22], s20  }
0xa0: {  	s5 =	ssub.s32 $0x0, s20;
	[sflag:s22] =	ssyncset.done $0x0  }
0xa1: {  	[sflag:s22] =	ssyncadd.s32 s5;
	_ =	sdelay $0x1  }
0xa2: {  	s23 =	simm.s32 $0x1B8B  }
0xa3: {  	_ =	swait.ge [sflag:s23], $0x1  }
0xa4: {  	[sflag:s23] =	ssyncset.done $0x0  }
0xa5: {  	s25 =	simm.s32 $0x1B8E;
	s24 =	sld [smem:$0x3FFE];
	[sflag:s23] =	ssyncadd.s32 $0xFFFFFFFF  }
0xa6: {  	s26 =	simm.s32 $execute0_lowered;
	[smem:$0x3FD2] =	sst s25  }
0xa7: {  	s6 =	sshll.u32 s26, $0x1;
	_ =	strace $0x80000046;
	[dreg:$0x1] =	wrdreg $0xFFFFFFFF  }
0xa8: {  	s28 =	simm.s32 $_size_execute0_lowered;
	s4 =	sadd.s32 s4, s6;
	[dreg:$0x0] =	wrdreg $0x0  }
0xa9: {  	s6 =	sshll.u32 s28, $0x1;
	[dreg:$0x2] =	wrdreg s4  }
0xaa: {  	[dreg:$0x3] =	wrdreg s6  }
0xab: {  	[dreg:$0x4] =	wrdreg $0xC0  }
0xac: {  	_ =	task [dreg:s8], $0x5FFFF  }
0xad: {  	[dreg:$0x1] =	wrdreg $0xFFFFFFFF  }
0xae: {  	[dreg:$0x0] =	wrdreg $0x60  }
0xaf: {  	[dreg:$0x2] =	wrdreg s18  }
0xb0: {  	[dreg:$0x3] =	wrdreg s2  }
0xb1: {  	[dreg:$0x4] =	wrdreg s24  }
0xb2: {  	[dreg:$0x5] =	wrdreg $0x9  }
0xb3: {  	_ =	task.clear_ibuf [dreg:s8], $0x6FFFF;
	_ =	strace $0x90000046  }
0xb4: {  	s29 =	simm.s32 $0x9;
	_ =	strace $0x80000048  }
0xb5: {  	_ =	swait.ge [sflag:s29], $0x1  }
0xb6: {  	[sflag:s29] =	ssyncadd.s32 $0xFFFFFFFF  }
0xb7: {  	_ =	strace $0x90000048  }
0xb8: {  	_ =	sfence  }
0xb9: {  	s30 =	sld [smem:$0x0];
	_ =	sdelay $0x2  }
0xba: {  	s31 =	sshll.u32 s1, $0xD;
	s1 =	sshrl.u32 s1, $0x2  }
0xbb: {  	s3 =	sand.u32 $0x4000, s31;
	s1 =	sadd.s32 s1, s30  }
0xbc: {  	s0 =	sor.u32 s3, s0;
	s1 =	sshll.u32 s1, $0x11  }
0xbd: {  	s0 =	sor.u32 s1, s0  }
0xbe: {  	s0 =	sadd.s32 $0x8F2B, s0  }
0xbf: {  	[sflag:s0] =	ssyncadd.remote.s32 $0x1  }
0xc0: {  	_ =	sfence.sel $0xFFFF  }
0xc1: {  	[dreg:$0x0] =	wrdreg $0xFFFFFFFF;
	(pc) =	sbr.abs _section_cstart, $3  }
0xc2: {  	[dreg:$0x1] =	wrdreg $0xFFFFFFFF  }
0xc3: {  	_ =	task.clear_ibuf [dreg:s8], $0x2FFFF;
	_ =	strace $0x9FFFFFFF  }
0xc4: {  	(tm) =	ssettm $0x7FFFFFFF  }
0xc5: {  	_ =	shalt  }
tec
execute0_lowered:
.L_overlay_start_1:
0x0: {  	(tag) =	ssettag $0x1  }
0x1: {  	s0 =	rddreg [dreg:$0x0]  }
0x2: {  	s1 =	rddreg [dreg:$0x1]  }
0x3: {  	s2 =	rddreg [dreg:$0x2];
	s3 =	simm.s32 $0x0  }
0x4: {  	s4 =	srdreg.scid;
	s10 =	stileid.u32;
	s15 =	simm.s32 $0x32  }
0x5: {  	s29 =	simm.s32 $0xE800;
	s31 =	simm.s32 $0x10400;
	s28 =	simm.s32 $0x8  }
0x6: {  	s30 =	simm.s32 $0x9;
	s14 =	simm.s32 $0xD;
	s11 =	simm.s32 $0x0  }
0x7: {  	[smem:$0x7FF] =	sst s3;
	s4 =	sand.u32 $0x1, s4;
	s5 =	smul.u32 $0x1C0000, s10  }
0x8: {  	s2 =	sadd.s32 $0x400, s2;
	s8 =	sshll.u32 s10, $0xC;
	s23 =	smul.u32 $0x38000, s10  }
0x9: {  	_ =	strace $0x80000047;
	[dreg:$0x4] =	wrdreg s2;
	s6 =	smul.u32 $0xE0000, s4  }
0xa: {  	s16 =	ssub.s32 $0x2, s4;
	s9 =	sshll.u32 s4, $0xB;
	s4 =	smul.u32 $0x1C000, s4  }
0xb: {  	s7 =	sshrl.u32 s16, $0x1;
	s17 =	sor.u32 s9, s8;
	s8 =	simm.s32 $0xF  }
0xc: {  	s9 =	simm.s32 $0x10;
	s2 =	ssub.s32 s16, s7;
	s5 =	sadd.s32 s6, s5  }
0xd: {  	s0 =	sadd.s32 s0, s17;
	s16 =	simm.s32 $0x4000;
	s17 =	simm.s32 $0x3  }
0xe: {  	s7 =	simm.s32 $0xE;
	[dreg:$0x5] =	wrdreg s0;
	s18 =	smax.u32 s2, $0x1  }
0xf: {  	s19 =	sor.u32 $0xC400, s5;
	s20 =	sor.u32 $0xA800, s5;
	s21 =	sor.u32 $0x8C00, s5  }
0x10: {  	s24 =	sor.u32 $0x7000, s5;
	s6 =	sor.u32 $0x5400, s5;
	s26 =	sor.u32 $0x3800, s5  }
0x11: {  	s5 =	simm.s32 $0xB;
	[dreg:$0x6] =	wrdreg s18;
	s0 =	sshrl.u32 s19, $0x3  }
0x12: {  	s22 =	sshrl.u32 s21, $0x3;
	s2 =	sshrl.u32 s24, $0x3;
	s25 =	sshrl.u32 s6, $0x3  }
0x13: {  	s18 =	simm.s32 $0x5C00;
	s24 =	simm.s32 $0xB000;
	[dreg:$0x7] =	wrdreg s0  }
0x14: {  	s19 =	simm.s32 $0x4;
	s21 =	simm.s32 $0x5;
	[dreg:$0x9] =	wrdreg s22  }
0x15: {  	s6 =	simm.s32 $0xC;
	s0 =	sshrl.u32 s20, $0x3;
	[dreg:$0xa] =	wrdreg s2  }
.Ltmp0:
0x16: {  	[dreg:$0xb] =	wrdreg s25;
	s2 =	sshrl.u32 s26, $0x3;
	(pc) =	sbr.rel .LBB2_1-.Ltmp0, $4  }
0x17: {  	s20 =	simm.s32 $0x7800;
	s22 =	simm.s32 $0x9400;
	[dreg:$0x8] =	wrdreg s0  }
0x18: {  	s26 =	simm.s32 $0xCC00;
	s25 =	simm.s32 $0x7;
	[dreg:$0xc] =	wrdreg s2  }
0x19: {  	s0 =	sadd.s32 s4, s23;
	s2 =	simm.s32 $0x2;
	s23 =	simm.s32 $0x6  }
0x1a: {  	s4 =	simm.s32 $0xA;
	[dreg:$0xd] =	wrdreg s0;
	s0 =	simm.s32 $0x1  }
.LBB2_3:
0x1b: {  	_ =	swait.ge [sflag:s4], $0x1900  }
0x1c: {  	[sflag:s4] =	ssyncset.done $0x0  }
0x1d: {  	[sflag:s4] =	ssyncadd.s32 $0xFFFFE700  }
0x1e: {  	_ =	swait.ge [sflag:s5], $0x1900  }
0x1f: {  	[sflag:s5] =	ssyncset.done $0x0  }
0x20: {  	[sflag:s5] =	ssyncadd.s32 $0xFFFFE700  }
0x21: {  	_ =	swait.ge [sflag:s6], $0x1900  }
0x22: {  	[sflag:s6] =	ssyncset.done $0x0  }
0x23: {  	[sflag:s6] =	ssyncadd.s32 $0xFFFFE700  }
0x24: {  	_ =	swait.ge [sflag:s14], $0x1900  }
0x25: {  	[sflag:s14] =	ssyncset.done $0x0  }
0x26: {  	[sflag:s14] =	ssyncadd.s32 $0xFFFFE700  }
0x27: {  	_ =	swait.ge [sflag:s7], $0x1900  }
0x28: {  	[sflag:s7] =	ssyncset.done $0x0  }
0x29: {  	[sflag:s7] =	ssyncadd.s32 $0xFFFFE700  }
0x2a: {  	_ =	swait.ge [sflag:s8], $0x1900  }
0x2b: {  	[sflag:s8] =	ssyncset.done $0x0  }
0x2c: {  	[sflag:s8] =	ssyncadd.s32 $0xFFFFE700  }
0x2d: {  	_ =	swait.ge [sflag:s9], $0x1900  }
0x2e: {  	[sflag:s9] =	ssyncset.done $0x0  }
0x2f: {  	[sflag:s9] =	ssyncadd.s32 $0xFFFFE700  }
.LBB2_5:
0x30: {  	s11 =	rddreg [dreg:$0xe]  }
0x31: {  	s10 =	rddreg [dreg:$0x6];
	s11 =	sadd.s32 $0x1, s11  }
0x32: {  	p0 =	sne.s32 s11, s10  }
.Ltmp1:
0x33: {  	_ = 	snop;
	(pc) =	sbr.rel @!p0 .LBB2_6-.Ltmp1, $1  }
0x34: {  	_ =	sdelay $0x3  }
.LBB2_1:
0x35: {  	[dreg:$0xe] =	wrdreg s11  }
0x36: {  	s10 =	rddreg [dreg:$0x5];
	s12 =	simm.s32 $0x11  }
0x37: {  	[tilespmem:s3], [sflag:$0x11] =	stream.linear.gather [hbm4b:s10+s3], $0x4000, $0x38;
	[tilespmem:$0x12000] =	vst v63  }
0x38: {  	_ =	swait.ge [sflag:s12], $0x4000  }
0x39: {  	[sflag:s12] =	ssyncset.done $0x0  }
0x3a: {  	[sflag:s12] =	ssyncadd.s32 $0xFFFFC000  }
0x3b: {  	[tilespmem:s16], [sflag:$0x1] =	stream.indirect.gather [hbm4b:s1+s15], $0x80, s3, s15, $0xb8;
	[tilespmem:$0x12000] =	vst v63  }
0x3c: {  	s13 =	simm.s32 $0x80  }
0x3d: {  	[tilespmem:s18], [sflag:$0x2] =	stream.indirect.gather [hbm4b:s1+s15], $0x80, s13, s15, $0xb8;
	[tilespmem:$0x12000] =	vst v63  }
0x3e: {  	s11 =	simm.s32 $0x100  }
0x3f: {  	[tilespmem:s20], [sflag:$0x3] =	stream.indirect.gather [hbm4b:s1+s15], $0x80, s11, s15, $0xb8;
	[tilespmem:$0x12000] =	vst v63  }
0x40: {  	s12 =	simm.s32 $0x180  }
0x41: {  	[tilespmem:s22], [sflag:$0x4] =	stream.indirect.gather [hbm4b:s1+s15], $0x80, s12, s15, $0xb8;
	[tilespmem:$0x12000] =	vst v63  }
0x42: {  	s13 =	simm.s32 $0x200  }
0x43: {  	[tilespmem:s24], [sflag:$0x5] =	stream.indirect.gather [hbm4b:s1+s15], $0x80, s13, s15, $0xb8;
	[tilespmem:$0x12000] =	vst v63  }
0x44: {  	s11 =	simm.s32 $0x280  }
0x45: {  	[tilespmem:s26], [sflag:$0x6] =	stream.indirect.gather [hbm4b:s1+s15], $0x80, s11, s15, $0xb8;
	[tilespmem:$0x12000] =	vst v63  }
0x46: {  	s12 =	simm.s32 $0x300  }
0x47: {  	[tilespmem:s29], [sflag:$0x7] =	stream.indirect.gather [hbm4b:s1+s15], $0x80, s12, s15, $0xb8;
	[tilespmem:$0x12000] =	vst v63  }
0x48: {  	s10 =	rddreg [dreg:$0x4];
	s13 =	simm.s32 $0x380;
	s11 =	simm.s32 $0x0  }
0x49: {  	[tilespmem:s31], [sflag:$0x8] =	stream.indirect.gather [hbm4b:s1+s15], $0x80, s13, s15, $0xb8;
	[tilespmem:$0x12000] =	vst v63  }
.LBB2_2:
0x4a: {  	_ =	swait.ge [sflag:s0], $0x1900  }
0x4b: {  	[sflag:s0] =	ssyncset.done $0x0;
	s12 =	rddreg [dreg:$0xd]  }
0x4c: {  	[sflag:s0] =	ssyncadd.s32 $0xFFFFE700;
	s12 =	sadd.s32 s10, s12  }
0x4d: {  	[hbm4b:s12+s3] =	stream.linear.scatter [tilespmem:s16], [sflag:$0x9], $0x1900, $0x38;
	[tilespmem:$0x12000] =	vst v63  }
0x4e: {  	_ =	swait.ge [sflag:s2], $0x1900  }
0x4f: {  	[sflag:s2] =	ssyncset.done $0x0  }
0x50: {  	s12 =	sadd.s32 $0x380, s12;
	[sflag:s2] =	ssyncadd.s32 $0xFFFFE700  }
0x51: {  	[hbm4b:s12+s3] =	stream.linear.scatter [tilespmem:s18], [sflag:$0xA], $0x1900, $0x38;
	[tilespmem:$0x12000] =	vst v63  }
0x52: {  	_ =	swait.ge [sflag:s17], $0x1900  }
0x53: {  	[sflag:s17] =	ssyncset.done $0x0;
	s13 =	rddreg [dreg:$0xc]  }
0x54: {  	[sflag:s17] =	ssyncadd.s32 $0xFFFFE700;
	s12 =	sadd.s32 s10, s13  }
0x55: {  	[hbm4b:s12+s3] =	stream.linear.scatter [tilespmem:s20], [sflag:$0xB], $0x1900, $0x38;
	[tilespmem:$0x12000] =	vst v63  }
0x56: {  	_ =	swait.ge [sflag:s19], $0x1900  }
0x57: {  	[sflag:s19] =	ssyncset.done $0x0;
	s13 =	rddreg [dreg:$0xb]  }
0x58: {  	[sflag:s19] =	ssyncadd.s32 $0xFFFFE700;
	s12 =	sadd.s32 s10, s13  }
0x59: {  	[hbm4b:s12+s3] =	stream.linear.scatter [tilespmem:s22], [sflag:$0xC], $0x1900, $0x38;
	[tilespmem:$0x12000] =	vst v63  }
0x5a: {  	_ =	swait.ge [sflag:s21], $0x1900  }
0x5b: {  	[sflag:s21] =	ssyncset.done $0x0;
	s13 =	rddreg [dreg:$0xa]  }
0x5c: {  	[sflag:s21] =	ssyncadd.s32 $0xFFFFE700;
	s12 =	sadd.s32 s10, s13  }
0x5d: {  	[hbm4b:s12+s3] =	stream.linear.scatter [tilespmem:s24], [sflag:$0xD], $0x1900, $0x38;
	[tilespmem:$0x12000] =	vst v63  }
0x5e: {  	_ =	swait.ge [sflag:s23], $0x1900  }
0x5f: {  	[sflag:s23] =	ssyncset.done $0x0;
	s13 =	rddreg [dreg:$0x9]  }
0x60: {  	[sflag:s23] =	ssyncadd.s32 $0xFFFFE700;
	s12 =	sadd.s32 s10, s13  }
0x61: {  	[hbm4b:s12+s3] =	stream.linear.scatter [tilespmem:s26], [sflag:$0xE], $0x1900, $0x38;
	[tilespmem:$0x12000] =	vst v63  }
0x62: {  	_ =	swait.ge [sflag:s25], $0x1900  }
0x63: {  	[sflag:s25] =	ssyncset.done $0x0;
	s13 =	rddreg [dreg:$0x8]  }
0x64: {  	[sflag:s25] =	ssyncadd.s32 $0xFFFFE700;
	s12 =	sadd.s32 s10, s13  }
0x65: {  	[hbm4b:s12+s3] =	stream.linear.scatter [tilespmem:s29], [sflag:$0xF], $0x1900, $0x38;
	[tilespmem:$0x12000] =	vst v63  }
0x66: {  	_ =	swait.ge [sflag:s28], $0x1900  }
0x67: {  	p0 =	sne.s32 s11, $0xF000;
	[sflag:s28] =	ssyncset.done $0x0;
	s13 =	rddreg [dreg:$0x7]  }
.Ltmp2:
0x68: {  	[sflag:s28] =	ssyncadd.s32 $0xFFFFE700;
	s12 =	sadd.s32 s10, s13;
	(pc) =	sbr.rel @!p0 .LBB2_3-.Ltmp2, $4  }
0x69: {  	[hbm4b:s12+s3] =	stream.linear.scatter [tilespmem:s31], [sflag:$0x10], $0x1900, $0x38;
	[tilespmem:$0x12000] =	vst v63  }
0x6a: {  	_ =	swait.ge [sflag:s30], $0x1900  }
0x6b: {  	[sflag:s30] =	ssyncset.done $0x0  }
0x6c: {  	[sflag:s30] =	ssyncadd.s32 $0xFFFFE700  }
0x6d: {  	s12 =	sshra.s32 s11, $0x2  }
0x6e: {  	s13 =	sadd.s32 $0x400, s12  }
0x6f: {  	[tilespmem:s16], [sflag:$0x1] =	stream.indirect.gather [hbm4b:s1+s15], $0x80, s13, s15, $0xb8;
	[tilespmem:$0x12000] =	vst v63  }
0x70: {  	_ =	swait.ge [sflag:s4], $0x1900  }
0x71: {  	[sflag:s4] =	ssyncset.done $0x0  }
0x72: {  	s13 =	sadd.s32 $0x480, s12;
	[sflag:s4] =	ssyncadd.s32 $0xFFFFE700  }
0x73: {  	[tilespmem:s18], [sflag:$0x2] =	stream.indirect.gather [hbm4b:s1+s15], $0x80, s13, s15, $0xb8;
	[tilespmem:$0x12000] =	vst v63  }
0x74: {  	_ =	swait.ge [sflag:s5], $0x1900  }
0x75: {  	[sflag:s5] =	ssyncset.done $0x0  }
0x76: {  	s13 =	sadd.s32 $0x500, s12;
	[sflag:s5] =	ssyncadd.s32 $0xFFFFE700  }
0x77: {  	[tilespmem:s20], [sflag:$0x3] =	stream.indirect.gather [hbm4b:s1+s15], $0x80, s13, s15, $0xb8;
	[tilespmem:$0x12000] =	vst v63  }
0x78: {  	_ =	swait.ge [sflag:s6], $0x1900  }
0x79: {  	[sflag:s6] =	ssyncset.done $0x0  }
0x7a: {  	s13 =	sadd.s32 $0x580, s12;
	[sflag:s6] =	ssyncadd.s32 $0xFFFFE700  }
0x7b: {  	[tilespmem:s22], [sflag:$0x4] =	stream.indirect.gather [hbm4b:s1+s15], $0x80, s13, s15, $0xb8;
	[tilespmem:$0x12000] =	vst v63  }
0x7c: {  	_ =	swait.ge [sflag:s14], $0x1900  }
0x7d: {  	[sflag:s14] =	ssyncset.done $0x0  }
0x7e: {  	s13 =	sadd.s32 $0x600, s12;
	[sflag:s14] =	ssyncadd.s32 $0xFFFFE700  }
0x7f: {  	[tilespmem:s24], [sflag:$0x5] =	stream.indirect.gather [hbm4b:s1+s15], $0x80, s13, s15, $0xb8;
	[tilespmem:$0x12000] =	vst v63  }
0x80: {  	_ =	swait.ge [sflag:s7], $0x1900  }
0x81: {  	[sflag:s7] =	ssyncset.done $0x0  }
0x82: {  	s13 =	sadd.s32 $0x680, s12;
	[sflag:s7] =	ssyncadd.s32 $0xFFFFE700  }
0x83: {  	[tilespmem:s26], [sflag:$0x6] =	stream.indirect.gather [hbm4b:s1+s15], $0x80, s13, s15, $0xb8;
	[tilespmem:$0x12000] =	vst v63  }
0x84: {  	_ =	swait.ge [sflag:s8], $0x1900  }
0x85: {  	s11 =	sadd.s32 $0x1000, s11;
	[sflag:s8] =	ssyncset.done $0x0  }
0x86: {  	p0 =	sne.s32 s11, $0x10000;
	s13 =	sadd.s32 $0x700, s12;
	[sflag:s8] =	ssyncadd.s32 $0xFFFFE700  }
0x87: {  	[tilespmem:s29], [sflag:$0x7] =	stream.indirect.gather [hbm4b:s1+s15], $0x80, s13, s15, $0xb8;
	[tilespmem:$0x12000] =	vst v63  }
.Ltmp3:
0x88: {  	_ = 	snop;
	(pc) =	sbr.rel @p0 .LBB2_2-.Ltmp3, $4  }
.Ltmp4:
0x89: {  	_ =	swait.ge [sflag:s9], $0x1900;
	(pc) =	sbr.rel @!p0 .LBB2_5-.Ltmp4, $4  }
0x8a: {  	[sflag:s9] =	ssyncset.done $0x0  }
0x8b: {  	s10 =	sadd.s32 $0x1C00, s10;
	s12 =	sadd.s32 $0x780, s12;
	[sflag:s9] =	ssyncadd.s32 $0xFFFFE700  }
0x8c: {  	[tilespmem:s31], [sflag:$0x8] =	stream.indirect.gather [hbm4b:s1+s15], $0x80, s12, s15, $0xb8;
	[tilespmem:$0x12000] =	vst v63  }
0x8d: {  	_ = 	snop  }
.LBB2_6:
0x8e: {  	_ =	sfence.sel $0x180000  }
0x8f: {  	[bflag:$0x0] =	sbarrier.arrive $0xFFFF  }
0x90: {  	_ =	strace $0x90000047  }
0x91: {  	s0 =	stileid.u32;
	[bflag:$0x2] =	sbarrier.arrive $0xFFFF  }
0x92: {  	p0 =	sne.s32 s0, $0x0;
	s0 =	rddreg [dreg:$0x3]  }
0x93: {  	s0 =	sadd.s32 @!p0 $0x100000, s0  }
0x94: {  	[sflag:s0] =	ssyncadd.tile.s32 @!p0 $0x1;
	_ =	shalt  }
.Lfunc_end2:
_tile_overlayer_lowered:
.L_overlay_start_2:
0x95: {  	(tag) =	ssettag $0x2  }
0x96: {  	s0 =	rddreg [dreg:$0x0];
	s2 =	stileid.u32  }
0x97: {  	s1 =	rddreg [dreg:$0x1];
	p0 =	sne.s32 s2, $0x0  }
0x98: {  	s3 =	rddreg [dreg:$0x2];
	[bflag:$0x3] =	sbarrier.arrive $0xFFFF;
	s2 =	simm.s32 @!p0 $0x1C11  }
0x99: {  	[timem:s3], [sflag:s2] =	dma.local @!p0 [hbm:s0], s1  }
0x9a: {  	s0 =	simm.s32 @!p0 $0x11  }
0x9b: {  	_ =	swait.ge @!p0 [sflag:s0], s1  }
0x9c: {  	s1 =	ssub.s32 @!p0 $0x0, s1;
	[sflag:s0] =	ssyncset.done @!p0 $0x0  }
0x9d: {  	[sflag:s0] =	ssyncadd.s32 @!p0 s1  }
0x9e: {  	[bflag:$0x3] =	sbarrier.arrive $0xFFFF  }
0x9f: {  	_ =	shalt  }

</sc_bundles>
